<compile_context>
chip_gen: v7x
topology: tpu7x:2x2x1
jax: 0.10.2.dev20260603
libtpu: 0.0.44.dev20260713+nightly
codegen_flags: <defaults>
</compile_context>

<pallas_src>
import functools

import jax
import jax.numpy as jnp
from jax import lax
from jax.experimental import pallas as pl
from jax.experimental.pallas import tpu as pltpu
from jax.experimental.pallas import tpu_sc as plsc

N_NODES = 10000
D_FEAT = 128
OUT_FEAT = 8
FILTER_ORDER = 3
N_EDGES = 320000
K_CHAIN = 17

NSUB = 16
LANES = 16
CHUNK = 128
NODES_PER_TILE = 640
N_PAD = NSUB * NODES_PER_TILE
CHUNKS_PER_TILE = 160
EDGES_PER_TILE = CHUNKS_PER_TILE * CHUNK
E_PAD = NSUB * EDGES_PER_TILE
A_PAD = 144
NREG = NODES_PER_TILE // LANES


def _rowsum_body(x_ref, o_ref):
    o_ref[...] = jnp.sum(x_ref[...], axis=1)


_rowsum = pl.pallas_call(
    _rowsum_body,
    out_shape=jax.ShapeDtypeStruct((N_NODES,), jnp.float32),
)


def _sc_chain():
    mesh = plsc.VectorSubcoreMesh(core_axis_name="c", subcore_axis_name="s")

    @functools.partial(
        pl.kernel,
        out_type=jax.ShapeDtypeStruct((N_NODES, OUT_FEAT), jnp.float32),
        mesh=mesh,
        scratch_types=[
            pltpu.VMEM((N_PAD,), jnp.float32),
            pltpu.VMEM((CHUNKS_PER_TILE, CHUNK), jnp.int32),
            pltpu.VMEM((CHUNKS_PER_TILE, CHUNK), jnp.int32),
            pltpu.VMEM((CHUNKS_PER_TILE, CHUNK), jnp.float32),
            pltpu.VMEM((CHUNKS_PER_TILE, CHUNK), jnp.float32),
            pltpu.VMEM((OUT_FEAT * NODES_PER_TILE,), jnp.float32),
            pltpu.VMEM((NODES_PER_TILE, OUT_FEAT), jnp.float32),
            pltpu.VMEM((NODES_PER_TILE,), jnp.float32),
            pltpu.VMEM((A_PAD,), jnp.float32),
            pltpu.VMEM_SHARED((2, N_PAD), jnp.float32),
            pltpu.SemaphoreType.DMA,
        ],
        compiler_params=pltpu.CompilerParams(needs_layout_passes=False,
                                             use_tc_tiling_on_sc=False),
    )
    def chain(s_hbm, src_hbm, dst_hbm, val_hbm, a_hbm, y_hbm,
              cur, src2, dst2, val2, prod2, yt, ytr, zeros, atab,
              shared2, sem):
        cid = lax.axis_index("c")
        sid = lax.axis_index("s")
        ebase = sid * CHUNKS_PER_TILE
        nbase = sid * NODES_PER_TILE

        pltpu.sync_copy(s_hbm, cur)
        pltpu.sync_copy(src_hbm.at[pl.ds(ebase, CHUNKS_PER_TILE), :], src2)
        pltpu.sync_copy(dst_hbm.at[pl.ds(ebase, CHUNKS_PER_TILE), :], dst2)
        pltpu.sync_copy(val_hbm.at[pl.ds(ebase, CHUNKS_PER_TILE), :], val2)
        pltpu.sync_copy(a_hbm, atab)

        zv = jnp.zeros((LANES,), jnp.float32)

        def _zero_zeros(b, carry):
            zeros[pl.ds(b * LANES, LANES)] = zv
            return carry

        lax.fori_loop(0, NREG, _zero_zeros, 0)

        def _zero_yt(b, carry):
            yt[pl.ds(b * LANES, LANES)] = zv
            return carry

        lax.fori_loop(0, OUT_FEAT * NREG, _zero_yt, 0)

        for q in range(2):
            pltpu.sync_copy(zeros,
                            shared2.at[q].at[pl.ds(nbase, NODES_PER_TILE)])
        plsc.subcore_barrier()

        def chain_body(r, carry):
            p = lax.rem(r, 2)
            buf = shared2.at[p]
            other = shared2.at[1 - p]

            def _chunk(c, carry2):
                for j in range(CHUNK // LANES):
                    sl = pl.ds(j * LANES, LANES)
                    g = plsc.load_gather(cur, [src2[c, sl]])
                    prod2[c, sl] = g * val2[c, sl]
                pltpu.async_copy(prod2.at[c], buf.at[dst2.at[c]], sem,
                                 add=True)
                return carry2

            lax.fori_loop(0, CHUNKS_PER_TILE, _chunk, 0)

            def _drain(c, carry2):
                pltpu.make_async_copy(prod2.at[c], buf.at[dst2.at[c]],
                                      sem).wait()
                return carry2

            lax.fori_loop(0, CHUNKS_PER_TILE, _drain, 0)
            plsc.subcore_barrier()

            pltpu.sync_copy(buf, cur)

            o_lo = jnp.maximum(0, (r - 1) // 2)
            o_hi = jnp.minimum(OUT_FEAT - 1, r // 2)

            def _acc_tap(o_t):
                av = plsc.load_gather(
                    atab, [jnp.full((LANES,), r * OUT_FEAT + o_t, jnp.int32)])

                def _yacc(b, carry2):
                    sl = pl.ds(o_t * NODES_PER_TILE + b * LANES, LANES)
                    yt[sl] = yt[sl] + av * cur[pl.ds(nbase + b * LANES,
                                                     LANES)]
                    return carry2

                lax.fori_loop(0, NREG, _yacc, 0)

            _acc_tap(o_lo)

            @pl.when(o_hi != o_lo)
            def _():
                _acc_tap(o_hi)

            pltpu.sync_copy(zeros, other.at[pl.ds(nbase, NODES_PER_TILE)])
            plsc.subcore_barrier()
            return carry

        lax.fori_loop(0, K_CHAIN, chain_body, 0)

        iota = lax.iota(jnp.int32, LANES)
        for o in range(OUT_FEAT):
            def _tr(b, carry2, o=o):
                v = yt[pl.ds(o * NODES_PER_TILE + b * LANES, LANES)]
                plsc.store_scatter(
                    ytr, [iota + b * LANES, jnp.full((LANES,), o, jnp.int32)],
                    v)
                return carry2

            lax.fori_loop(0, NREG, _tr, 0)

        @pl.when(cid == 0)
        def _():
            @pl.when(sid < NSUB - 1)
            def _():
                pltpu.sync_copy(ytr,
                                y_hbm.at[pl.ds(nbase, NODES_PER_TILE), :])

            @pl.when(sid == NSUB - 1)
            def _():
                last = N_NODES - (NSUB - 1) * NODES_PER_TILE
                pltpu.sync_copy(
                    ytr.at[pl.ds(0, last), :],
                    y_hbm.at[pl.ds((NSUB - 1) * NODES_PER_TILE, last), :])

    return chain


_chain_kernel = _sc_chain()


def kernel(x, edge_src, edge_dst, edge_val, filterCoeff):
    x = x.astype(jnp.float32)
    src = edge_src.astype(jnp.int32)
    dst = edge_dst.astype(jnp.int32)
    val = edge_val.astype(jnp.float32)
    coeff = filterCoeff.astype(jnp.float32)

    s_pad = jnp.pad(_rowsum(x), (0, N_PAD - N_NODES))

    pad = E_PAD - N_EDGES
    src2 = jnp.pad(src, (0, pad)).reshape(NSUB * CHUNKS_PER_TILE, CHUNK)
    dst2 = jnp.pad(dst, (0, pad)).reshape(NSUB * CHUNKS_PER_TILE, CHUNK)
    val2 = jnp.pad(val, (0, pad)).reshape(NSUB * CHUNKS_PER_TILE, CHUNK)

    r = jnp.arange(K_CHAIN)[:, None]
    o = jnp.arange(OUT_FEAT)[None, :]
    i = r - 2 * o
    valid = (i >= 0) & (i < FILTER_ORDER)
    atab = jnp.where(valid, coeff.T[jnp.clip(i, 0, FILTER_ORDER - 1), o], 0.0)
    atab = jnp.pad(atab.reshape(-1), (0, A_PAD - K_CHAIN * OUT_FEAT))

    return _chain_kernel(s_pad, src2, dst2, val2, atab)

# --- scband reference (transcript-rebuilt; emitter-appended) ---
"""Pipeline reference for scband-gfl-62895501082683 (READ-ONLY COPY).

The authoritative reference and input builder live on the scoring server;
editing this copy changes nothing except your own understanding.
"""

import jax, jax.numpy as jnp
import numpy as np

N_NODES = 10000
N_EDGES = 320000
D_FEAT = 128
OUT_FEAT = 8
FILTER_ORDER = 3


def _spmm(edge_src, edge_dst, edge_val, v, n_nodes):
    # y = GSO @ v where GSO is sparse COO: GSO[dst, src] = val
    gathered = v[edge_src] * edge_val[:, None]
    return jax.ops.segment_sum(gathered, edge_dst, num_segments=n_nodes)


def setup_inputs(seed: int = 0) -> dict:
    key = jax.random.key(seed)
    k1, k2, k3, k4, k5 = jax.random.split(key, 5)
    x = jax.random.normal(k1, (N_NODES, D_FEAT), dtype=jnp.float32)
    edge_src = jax.random.randint(k2, (N_EDGES,), 0, N_NODES)
    edge_dst = jax.random.randint(k3, (N_EDGES,), 0, N_NODES)
    # scale values so repeated powers of GSO stay numerically stable
    edge_val = jax.random.uniform(k4, (N_EDGES,), dtype=jnp.float32) * (1.0 / 32.0)
    filterCoeff = jax.random.normal(k5, (OUT_FEAT, FILTER_ORDER), dtype=jnp.float32) * 0.1
    return {"x": x, "edge_src": edge_src, "edge_dst": edge_dst,
            "edge_val": edge_val, "filterCoeff": filterCoeff}


def reference(x, edge_src, edge_dst, edge_val, filterCoeff):
    # Faithful translation of GFL.forward. The torch code loops over input
    # features doing spmm on single columns; GSOTimesVectors advances its
    # GSO power ACROSS the outFeat loop (not reset per outFeat), with the
    # final tap of each outFeat skipping the extra spmm. We vectorize over
    # the inFeat dimension (identical math, all columns share the same
    # sequence of GSO powers).
    nNodes = x.shape[0]
    numOutFeatures, numFilterTaps = filterCoeff.shape
    current = _spmm(edge_src, edge_dst, edge_val, x, nNodes)  # GSO @ x, [N, F]
    cols = []
    for outFeat in range(numOutFeatures):
        tmp = jnp.zeros_like(current)
        for i in range(numFilterTaps):
            tmp = tmp + filterCoeff[outFeat, i] * current
            if i == numFilterTaps - 1:
                continue
            current = _spmm(edge_src, edge_dst, edge_val, current, nNodes)
        # y[:, outFeat, inFeat] = tmp; final torch.sum(y, dim=2) -> sum over inFeat
        cols.append(jnp.sum(tmp, axis=1))
    y = jnp.stack(cols, axis=1)  # [N, outFeat]
    return y

if __name__ == "__main__":
    import jax
    _d = setup_inputs()
    print(jax.jit(kernel)(*tuple(_d.values())))

</pallas_src>

<mosaic_0001>
#map = affine_map<(d0, d1) -> (0)>
#map1 = affine_map<(d0, d1) -> (0, 0)>
module attributes {stable_mosaic.version = 14 : i64} {
  func.func @chain(%arg0: i32, %arg1: i32, %arg2: memref<10240xf32, #tpu.memory_space<hbm>>, %arg3: memref<2560x128xi32, #tpu.memory_space<hbm>>, %arg4: memref<2560x128xi32, #tpu.memory_space<hbm>>, %arg5: memref<2560x128xf32, #tpu.memory_space<hbm>>, %arg6: memref<144xf32, #tpu.memory_space<hbm>>, %arg7: memref<10000x8xf32, #tpu.memory_space<hbm>>, %arg8: memref<10240xf32, #tpu.memory_space<vmem>>, %arg9: memref<160x128xi32, #tpu.memory_space<vmem>>, %arg10: memref<160x128xi32, #tpu.memory_space<vmem>>, %arg11: memref<160x128xf32, #tpu.memory_space<vmem>>, %arg12: memref<160x128xf32, #tpu.memory_space<vmem>>, %arg13: memref<5120xf32, #tpu.memory_space<vmem>>, %arg14: memref<640x8xf32, #tpu.memory_space<vmem>>, %arg15: memref<640xf32, #tpu.memory_space<vmem>>, %arg16: memref<144xf32, #tpu.memory_space<vmem>>, %arg17: memref<2x10240xf32, #tpu.memory_space<vmem_shared>>, %arg18: memref<!tpu.dma_semaphore, #tpu.memory_space<semaphore_mem>>) attributes {dimension_semantics = [#tpu.dimension_semantics<core_parallel>, #tpu.dimension_semantics<subcore_parallel>], iteration_bounds = array<i64: 2, 16>, scalar_prefetch = 0 : i64, scratch_operands = 11 : i64, tpu.core_type = #tpu.core_type<sc_vector_subcore>, window_params = [{transform_indices = #map}, {transform_indices = #map1}, {transform_indices = #map1}, {transform_indices = #map1}, {transform_indices = #map}, {transform_indices = #map1}]} {
    %mul3A = arith.constant 160 : i32
    %mul3A_0 = arith.muli %arg1, %mul3A : i32
    %mul3A_1 = arith.constant 640 : i32
    %mul3A_2 = arith.muli %arg1, %mul3A_1 : i32
    "tpu.region"() ({
      %run_scoped3A_72 = tpu.sem_alloc : memref<!tpu.dma_semaphore, #tpu.memory_space<semaphore_mem>>
      tpu.enqueue_dma source(%arg2 : memref<10240xf32, #tpu.memory_space<hbm>>) target(%arg8 : memref<10240xf32, #tpu.memory_space<vmem>>) target_semaphore(%run_scoped3A_72 : memref<!tpu.dma_semaphore, #tpu.memory_space<semaphore_mem>>)
      tpu.wait_dma2 semaphore(%run_scoped3A_72 : memref<!tpu.dma_semaphore, #tpu.memory_space<semaphore_mem>>) src(%arg2 : memref<10240xf32, #tpu.memory_space<hbm>>) dst(%arg8 : memref<10240xf32, #tpu.memory_space<vmem>>)
      tpu.yield
    }) : () -> ()
    "tpu.region"() ({
      %run_scoped3A_72 = tpu.sem_alloc : memref<!tpu.dma_semaphore, #tpu.memory_space<semaphore_mem>>
      %dma_start3A = arith.constant 0 : i32
      %dma_start3A_73 = tpu.memref_slice %arg3[%mul3A_0, %dma_start3A] : memref<2560x128xi32, #tpu.memory_space<hbm>> -> memref<160x128xi32, #tpu.memory_space<hbm>>
      %dma_start3A_74 = arith.constant 0 : i32
      %dma_start3A_75 = tpu.memref_slice %arg3[%mul3A_0, %dma_start3A_74] : memref<2560x128xi32, #tpu.memory_space<hbm>> -> memref<160x128xi32, #tpu.memory_space<hbm>>
      tpu.enqueue_dma source(%dma_start3A_75 : memref<160x128xi32, #tpu.memory_space<hbm>>) target(%arg9 : memref<160x128xi32, #tpu.memory_space<vmem>>) target_semaphore(%run_scoped3A_72 : memref<!tpu.dma_semaphore, #tpu.memory_space<semaphore_mem>>)
      %dma_wait3A = arith.constant 0 : i32
      %dma_wait3A_76 = tpu.memref_slice %arg3[%mul3A_0, %dma_wait3A] : memref<2560x128xi32, #tpu.memory_space<hbm>> -> memref<160x128xi32, #tpu.memory_space<hbm>>
      %dma_wait3A_77 = arith.constant 0 : i32
      %dma_wait3A_78 = tpu.memref_slice %arg3[%mul3A_0, %dma_wait3A_77] : memref<2560x128xi32, #tpu.memory_space<hbm>> -> memref<160x128xi32, #tpu.memory_space<hbm>>
      tpu.wait_dma2 semaphore(%run_scoped3A_72 : memref<!tpu.dma_semaphore, #tpu.memory_space<semaphore_mem>>) src(%dma_wait3A_78 : memref<160x128xi32, #tpu.memory_space<hbm>>) dst(%arg9 : memref<160x128xi32, #tpu.memory_space<vmem>>)
      tpu.yield
    }) : () -> ()
    "tpu.region"() ({
      %run_scoped3A_72 = tpu.sem_alloc : memref<!tpu.dma_semaphore, #tpu.memory_space<semaphore_mem>>
      %dma_start3A = arith.constant 0 : i32
      %dma_start3A_73 = tpu.memref_slice %arg4[%mul3A_0, %dma_start3A] : memref<2560x128xi32, #tpu.memory_space<hbm>> -> memref<160x128xi32, #tpu.memory_space<hbm>>
      %dma_start3A_74 = arith.constant 0 : i32
      %dma_start3A_75 = tpu.memref_slice %arg4[%mul3A_0, %dma_start3A_74] : memref<2560x128xi32, #tpu.memory_space<hbm>> -> memref<160x128xi32, #tpu.memory_space<hbm>>
      tpu.enqueue_dma source(%dma_start3A_75 : memref<160x128xi32, #tpu.memory_space<hbm>>) target(%arg10 : memref<160x128xi32, #tpu.memory_space<vmem>>) target_semaphore(%run_scoped3A_72 : memref<!tpu.dma_semaphore, #tpu.memory_space<semaphore_mem>>)
      %dma_wait3A = arith.constant 0 : i32
      %dma_wait3A_76 = tpu.memref_slice %arg4[%mul3A_0, %dma_wait3A] : memref<2560x128xi32, #tpu.memory_space<hbm>> -> memref<160x128xi32, #tpu.memory_space<hbm>>
      %dma_wait3A_77 = arith.constant 0 : i32
      %dma_wait3A_78 = tpu.memref_slice %arg4[%mul3A_0, %dma_wait3A_77] : memref<2560x128xi32, #tpu.memory_space<hbm>> -> memref<160x128xi32, #tpu.memory_space<hbm>>
      tpu.wait_dma2 semaphore(%run_scoped3A_72 : memref<!tpu.dma_semaphore, #tpu.memory_space<semaphore_mem>>) src(%dma_wait3A_78 : memref<160x128xi32, #tpu.memory_space<hbm>>) dst(%arg10 : memref<160x128xi32, #tpu.memory_space<vmem>>)
      tpu.yield
    }) : () -> ()
    "tpu.region"() ({
      %run_scoped3A_72 = tpu.sem_alloc : memref<!tpu.dma_semaphore, #tpu.memory_space<semaphore_mem>>
      %dma_start3A = arith.constant 0 : i32
      %dma_start3A_73 = tpu.memref_slice %arg5[%mul3A_0, %dma_start3A] : memref<2560x128xf32, #tpu.memory_space<hbm>> -> memref<160x128xf32, #tpu.memory_space<hbm>>
      %dma_start3A_74 = arith.constant 0 : i32
      %dma_start3A_75 = tpu.memref_slice %arg5[%mul3A_0, %dma_start3A_74] : memref<2560x128xf32, #tpu.memory_space<hbm>> -> memref<160x128xf32, #tpu.memory_space<hbm>>
      tpu.enqueue_dma source(%dma_start3A_75 : memref<160x128xf32, #tpu.memory_space<hbm>>) target(%arg11 : memref<160x128xf32, #tpu.memory_space<vmem>>) target_semaphore(%run_scoped3A_72 : memref<!tpu.dma_semaphore, #tpu.memory_space<semaphore_mem>>)
      %dma_wait3A = arith.constant 0 : i32
      %dma_wait3A_76 = tpu.memref_slice %arg5[%mul3A_0, %dma_wait3A] : memref<2560x128xf32, #tpu.memory_space<hbm>> -> memref<160x128xf32, #tpu.memory_space<hbm>>
      %dma_wait3A_77 = arith.constant 0 : i32
      %dma_wait3A_78 = tpu.memref_slice %arg5[%mul3A_0, %dma_wait3A_77] : memref<2560x128xf32, #tpu.memory_space<hbm>> -> memref<160x128xf32, #tpu.memory_space<hbm>>
      tpu.wait_dma2 semaphore(%run_scoped3A_72 : memref<!tpu.dma_semaphore, #tpu.memory_space<semaphore_mem>>) src(%dma_wait3A_78 : memref<160x128xf32, #tpu.memory_space<hbm>>) dst(%arg11 : memref<160x128xf32, #tpu.memory_space<vmem>>)
      tpu.yield
    }) : () -> ()
    "tpu.region"() ({
      %run_scoped3A_72 = tpu.sem_alloc : memref<!tpu.dma_semaphore, #tpu.memory_space<semaphore_mem>>
      tpu.enqueue_dma source(%arg6 : memref<144xf32, #tpu.memory_space<hbm>>) target(%arg16 : memref<144xf32, #tpu.memory_space<vmem>>) target_semaphore(%run_scoped3A_72 : memref<!tpu.dma_semaphore, #tpu.memory_space<semaphore_mem>>)
      tpu.wait_dma2 semaphore(%run_scoped3A_72 : memref<!tpu.dma_semaphore, #tpu.memory_space<semaphore_mem>>) src(%arg6 : memref<144xf32, #tpu.memory_space<hbm>>) dst(%arg16 : memref<144xf32, #tpu.memory_space<vmem>>)
      tpu.yield
    }) : () -> ()
    %broadcast_in_dim3A = arith.constant 0.000000e+00 : f32
    %broadcast_in_dim3A_3 = vector.broadcast %broadcast_in_dim3A : f32 to vector<16xf32>
    %scan3A = arith.constant 0 : i32
    %scan3A_4 = arith.constant 0 : i32
    %scan3A_5 = arith.constant 40 : i32
    %scan3A_6 = arith.addi %scan3A_4, %scan3A_5 : i32
    %scan3A_7 = arith.constant 1 : i32
    scf.for %scan3A_72 = %scan3A_4 to %scan3A_6 step %scan3A_7  : i32 {
      %mul3A_73 = arith.constant 16 : i32
      %mul3A_74 = arith.muli %scan3A_72, %mul3A_73 : i32
      %swap3A = arith.index_cast %mul3A_74 : i32 to index
      %swap3A_75 = tpu.vector_load %arg15[%swap3A] {strides = array<i32>} : memref<640xf32, #tpu.memory_space<vmem>>, vector<16xf32>,
      tpu.vector_store %arg15[%swap3A], %broadcast_in_dim3A_3 {strides = array<i32>} : memref<640xf32, #tpu.memory_space<vmem>>, vector<16xf32>,
    }
    %scan3A_8 = arith.constant 40 : i32
    %scan3A_9 = arith.constant 0 : i32
    %scan3A_10 = arith.constant 0 : i32
    %scan3A_11 = arith.constant 320 : i32
    %scan3A_12 = arith.addi %scan3A_10, %scan3A_11 : i32
    %scan3A_13 = arith.constant 1 : i32
    scf.for %scan3A_72 = %scan3A_10 to %scan3A_12 step %scan3A_13  : i32 {
      %mul3A_73 = arith.constant 16 : i32
      %mul3A_74 = arith.muli %scan3A_72, %mul3A_73 : i32
      %swap3A = arith.index_cast %mul3A_74 : i32 to index
      %swap3A_75 = tpu.vector_load %arg13[%swap3A] {strides = array<i32>} : memref<5120xf32, #tpu.memory_space<vmem>>, vector<16xf32>,
      tpu.vector_store %arg13[%swap3A], %broadcast_in_dim3A_3 {strides = array<i32>} : memref<5120xf32, #tpu.memory_space<vmem>>, vector<16xf32>,
    }
    %scan3A_14 = arith.constant 320 : i32
    %run_scoped3A = arith.constant 0 : i32
    "tpu.region"() ({
      %run_scoped3A_72 = tpu.sem_alloc : memref<!tpu.dma_semaphore, #tpu.memory_space<semaphore_mem>>
      %dma_start3A = arith.constant 0 : i32
      %dma_start3A_73 = tpu.memref_slice %arg17[%run_scoped3A, %dma_start3A] : memref<2x10240xf32, #tpu.memory_space<vmem_shared>> -> memref<1x10240xf32, #tpu.memory_space<vmem_shared>>
      %dma_start3A_74 = tpu.memref_squeeze %dma_start3A_73 : memref<1x10240xf32, #tpu.memory_space<vmem_shared>> -> memref<10240xf32, #tpu.memory_space<vmem_shared>>
      %dma_start3A_75 = tpu.memref_slice %dma_start3A_74[%mul3A_2] : memref<10240xf32, #tpu.memory_space<vmem_shared>> -> memref<640xf32, #tpu.memory_space<vmem_shared>>
      %dma_start3A_76 = arith.constant 0 : i32
      %dma_start3A_77 = tpu.memref_slice %arg17[%run_scoped3A, %dma_start3A_76] : memref<2x10240xf32, #tpu.memory_space<vmem_shared>> -> memref<1x10240xf32, #tpu.memory_space<vmem_shared>>
      %dma_start3A_78 = tpu.memref_squeeze %dma_start3A_77 : memref<1x10240xf32, #tpu.memory_space<vmem_shared>> -> memref<10240xf32, #tpu.memory_space<vmem_shared>>
      %dma_start3A_79 = tpu.memref_slice %dma_start3A_78[%mul3A_2] : memref<10240xf32, #tpu.memory_space<vmem_shared>> -> memref<640xf32, #tpu.memory_space<vmem_shared>>
      tpu.enqueue_dma source(%arg15 : memref<640xf32, #tpu.memory_space<vmem>>) target(%dma_start3A_79 : memref<640xf32, #tpu.memory_space<vmem_shared>>) target_semaphore(%run_scoped3A_72 : memref<!tpu.dma_semaphore, #tpu.memory_space<semaphore_mem>>)
      %dma_wait3A = arith.constant 0 : i32
      %dma_wait3A_80 = tpu.memref_slice %arg17[%run_scoped3A, %dma_wait3A] : memref<2x10240xf32, #tpu.memory_space<vmem_shared>> -> memref<1x10240xf32, #tpu.memory_space<vmem_shared>>
      %dma_wait3A_81 = tpu.memref_squeeze %dma_wait3A_80 : memref<1x10240xf32, #tpu.memory_space<vmem_shared>> -> memref<10240xf32, #tpu.memory_space<vmem_shared>>
      %dma_wait3A_82 = tpu.memref_slice %dma_wait3A_81[%mul3A_2] : memref<10240xf32, #tpu.memory_space<vmem_shared>> -> memref<640xf32, #tpu.memory_space<vmem_shared>>
      %dma_wait3A_83 = arith.constant 0 : i32
      %dma_wait3A_84 = tpu.memref_slice %arg17[%run_scoped3A, %dma_wait3A_83] : memref<2x10240xf32, #tpu.memory_space<vmem_shared>> -> memref<1x10240xf32, #tpu.memory_space<vmem_shared>>
      %dma_wait3A_85 = tpu.memref_squeeze %dma_wait3A_84 : memref<1x10240xf32, #tpu.memory_space<vmem_shared>> -> memref<10240xf32, #tpu.memory_space<vmem_shared>>
      %dma_wait3A_86 = tpu.memref_slice %dma_wait3A_85[%mul3A_2] : memref<10240xf32, #tpu.memory_space<vmem_shared>> -> memref<640xf32, #tpu.memory_space<vmem_shared>>
      tpu.wait_dma2 semaphore(%run_scoped3A_72 : memref<!tpu.dma_semaphore, #tpu.memory_space<semaphore_mem>>) src(%arg15 : memref<640xf32, #tpu.memory_space<vmem>>) dst(%dma_wait3A_86 : memref<640xf32, #tpu.memory_space<vmem_shared>>)
      tpu.yield
    }) : () -> ()
    %run_scoped3A_15 = arith.constant 1 : i32
    "tpu.region"() ({
      %run_scoped3A_72 = tpu.sem_alloc : memref<!tpu.dma_semaphore, #tpu.memory_space<semaphore_mem>>
      %dma_start3A = arith.constant 0 : i32
      %dma_start3A_73 = tpu.memref_slice %arg17[%run_scoped3A_15, %dma_start3A] : memref<2x10240xf32, #tpu.memory_space<vmem_shared>> -> memref<1x10240xf32, #tpu.memory_space<vmem_shared>>
      %dma_start3A_74 = tpu.memref_squeeze %dma_start3A_73 : memref<1x10240xf32, #tpu.memory_space<vmem_shared>> -> memref<10240xf32, #tpu.memory_space<vmem_shared>>
      %dma_start3A_75 = tpu.memref_slice %dma_start3A_74[%mul3A_2] : memref<10240xf32, #tpu.memory_space<vmem_shared>> -> memref<640xf32, #tpu.memory_space<vmem_shared>>
      %dma_start3A_76 = arith.constant 0 : i32
      %dma_start3A_77 = tpu.memref_slice %arg17[%run_scoped3A_15, %dma_start3A_76] : memref<2x10240xf32, #tpu.memory_space<vmem_shared>> -> memref<1x10240xf32, #tpu.memory_space<vmem_shared>>
      %dma_start3A_78 = tpu.memref_squeeze %dma_start3A_77 : memref<1x10240xf32, #tpu.memory_space<vmem_shared>> -> memref<10240xf32, #tpu.memory_space<vmem_shared>>
      %dma_start3A_79 = tpu.memref_slice %dma_start3A_78[%mul3A_2] : memref<10240xf32, #tpu.memory_space<vmem_shared>> -> memref<640xf32, #tpu.memory_space<vmem_shared>>
      tpu.enqueue_dma source(%arg15 : memref<640xf32, #tpu.memory_space<vmem>>) target(%dma_start3A_79 : memref<640xf32, #tpu.memory_space<vmem_shared>>) target_semaphore(%run_scoped3A_72 : memref<!tpu.dma_semaphore, #tpu.memory_space<semaphore_mem>>)
      %dma_wait3A = arith.constant 0 : i32
      %dma_wait3A_80 = tpu.memref_slice %arg17[%run_scoped3A_15, %dma_wait3A] : memref<2x10240xf32, #tpu.memory_space<vmem_shared>> -> memref<1x10240xf32, #tpu.memory_space<vmem_shared>>
      %dma_wait3A_81 = tpu.memref_squeeze %dma_wait3A_80 : memref<1x10240xf32, #tpu.memory_space<vmem_shared>> -> memref<10240xf32, #tpu.memory_space<vmem_shared>>
      %dma_wait3A_82 = tpu.memref_slice %dma_wait3A_81[%mul3A_2] : memref<10240xf32, #tpu.memory_space<vmem_shared>> -> memref<640xf32, #tpu.memory_space<vmem_shared>>
      %dma_wait3A_83 = arith.constant 0 : i32
      %dma_wait3A_84 = tpu.memref_slice %arg17[%run_scoped3A_15, %dma_wait3A_83] : memref<2x10240xf32, #tpu.memory_space<vmem_shared>> -> memref<1x10240xf32, #tpu.memory_space<vmem_shared>>
      %dma_wait3A_85 = tpu.memref_squeeze %dma_wait3A_84 : memref<1x10240xf32, #tpu.memory_space<vmem_shared>> -> memref<10240xf32, #tpu.memory_space<vmem_shared>>
      %dma_wait3A_86 = tpu.memref_slice %dma_wait3A_85[%mul3A_2] : memref<10240xf32, #tpu.memory_space<vmem_shared>> -> memref<640xf32, #tpu.memory_space<vmem_shared>>
      tpu.wait_dma2 semaphore(%run_scoped3A_72 : memref<!tpu.dma_semaphore, #tpu.memory_space<semaphore_mem>>) src(%arg15 : memref<640xf32, #tpu.memory_space<vmem>>) dst(%dma_wait3A_86 : memref<640xf32, #tpu.memory_space<vmem_shared>>)
      tpu.yield
    }) : () -> ()
    %barrier3A = arith.constant 0 : index
    tpu.barrier barrier_id(%barrier3A)
    %scan3A_16 = arith.constant 0 : i32
    %scan3A_17 = arith.constant 0 : i32
    %scan3A_18 = arith.constant 17 : i32
    %scan3A_19 = arith.addi %scan3A_17, %scan3A_18 : i32
    %scan3A_20 = arith.constant 1 : i32
    scf.for %scan3A_72 = %scan3A_17 to %scan3A_19 step %scan3A_20  : i32 {
      %rem3A = arith.constant 2 : i32
      %rem3A_73 = arith.remsi %scan3A_72, %rem3A : i32
      %sub3A = arith.constant 1 : i32
      %sub3A_74 = arith.subi %sub3A, %rem3A_73 : i32
      %scan3A_75 = arith.constant 0 : i32
      %scan3A_76 = arith.constant 0 : i32
      %scan3A_77 = arith.constant 160 : i32
      %scan3A_78 = arith.addi %scan3A_76, %scan3A_77 : i32
      %scan3A_79 = arith.constant 1 : i32
      scf.for %scan3A_148 = %scan3A_76 to %scan3A_78 step %scan3A_79  : i32 {
        %get3A = arith.index_cast %scan3A_148 : i32 to index
        %get3A_149 = arith.constant 0 : index
        %get3A_150 = tpu.vector_load %arg9[%get3A, %get3A_149] {strides = array<i32>} : memref<160x128xi32, #tpu.memory_space<vmem>>, vector<16xi32>,
        %gather3A_151 = tpu.vector_load_idx %arg8[%get3A_150] : memref<10240xf32, #tpu.memory_space<vmem>>[vector<16xi32>], vector<16xf32>,
        %get3A_152 = arith.index_cast %scan3A_148 : i32 to index
        %get3A_153 = arith.constant 0 : index
        %get3A_154 = tpu.vector_load %arg11[%get3A_152, %get3A_153] {strides = array<i32>} : memref<160x128xf32, #tpu.memory_space<vmem>>, vector<16xf32>,
        %mul3A_155 = arith.mulf %gather3A_151, %get3A_154 : vector<16xf32>
        %swap3A = arith.index_cast %scan3A_148 : i32 to index
        %swap3A_156 = arith.constant 0 : index
        %swap3A_157 = tpu.vector_load %arg12[%swap3A, %swap3A_156] {strides = array<i32>} : memref<160x128xf32, #tpu.memory_space<vmem>>, vector<16xf32>,
        tpu.vector_store %arg12[%swap3A, %swap3A_156], %mul3A_155 {strides = array<i32>} : memref<160x128xf32, #tpu.memory_space<vmem>>, vector<16xf32>,
        %get3A_158 = arith.index_cast %scan3A_148 : i32 to index
        %get3A_159 = arith.constant 16 : index
        %get3A_160 = tpu.vector_load %arg9[%get3A_158, %get3A_159] {strides = array<i32>} : memref<160x128xi32, #tpu.memory_space<vmem>>, vector<16xi32>,
        %gather3A_161 = tpu.vector_load_idx %arg8[%get3A_160] : memref<10240xf32, #tpu.memory_space<vmem>>[vector<16xi32>], vector<16xf32>,
        %get3A_162 = arith.index_cast %scan3A_148 : i32 to index
        %get3A_163 = arith.constant 16 : index
        %get3A_164 = tpu.vector_load %arg11[%get3A_162, %get3A_163] {strides = array<i32>} : memref<160x128xf32, #tpu.memory_space<vmem>>, vector<16xf32>,
        %mul3A_165 = arith.mulf %gather3A_161, %get3A_164 : vector<16xf32>
        %swap3A_166 = arith.index_cast %scan3A_148 : i32 to index
        %swap3A_167 = arith.constant 16 : index
        %swap3A_168 = tpu.vector_load %arg12[%swap3A_166, %swap3A_167] {strides = array<i32>} : memref<160x128xf32, #tpu.memory_space<vmem>>, vector<16xf32>,
        tpu.vector_store %arg12[%swap3A_166, %swap3A_167], %mul3A_165 {strides = array<i32>} : memref<160x128xf32, #tpu.memory_space<vmem>>, vector<16xf32>,
        %get3A_169 = arith.index_cast %scan3A_148 : i32 to index
        %get3A_170 = arith.constant 32 : index
        %get3A_171 = tpu.vector_load %arg9[%get3A_169, %get3A_170] {strides = array<i32>} : memref<160x128xi32, #tpu.memory_space<vmem>>, vector<16xi32>,
        %gather3A_172 = tpu.vector_load_idx %arg8[%get3A_171] : memref<10240xf32, #tpu.memory_space<vmem>>[vector<16xi32>], vector<16xf32>,
        %get3A_173 = arith.index_cast %scan3A_148 : i32 to index
        %get3A_174 = arith.constant 32 : index
        %get3A_175 = tpu.vector_load %arg11[%get3A_173, %get3A_174] {strides = array<i32>} : memref<160x128xf32, #tpu.memory_space<vmem>>, vector<16xf32>,
        %mul3A_176 = arith.mulf %gather3A_172, %get3A_175 : vector<16xf32>
        %swap3A_177 = arith.index_cast %scan3A_148 : i32 to index
        %swap3A_178 = arith.constant 32 : index
        %swap3A_179 = tpu.vector_load %arg12[%swap3A_177, %swap3A_178] {strides = array<i32>} : memref<160x128xf32, #tpu.memory_space<vmem>>, vector<16xf32>,
        tpu.vector_store %arg12[%swap3A_177, %swap3A_178], %mul3A_176 {strides = array<i32>} : memref<160x128xf32, #tpu.memory_space<vmem>>, vector<16xf32>,
        %get3A_180 = arith.index_cast %scan3A_148 : i32 to index
        %get3A_181 = arith.constant 48 : index
        %get3A_182 = tpu.vector_load %arg9[%get3A_180, %get3A_181] {strides = array<i32>} : memref<160x128xi32, #tpu.memory_space<vmem>>, vector<16xi32>,
        %gather3A_183 = tpu.vector_load_idx %arg8[%get3A_182] : memref<10240xf32, #tpu.memory_space<vmem>>[vector<16xi32>], vector<16xf32>,
        %get3A_184 = arith.index_cast %scan3A_148 : i32 to index
        %get3A_185 = arith.constant 48 : index
        %get3A_186 = tpu.vector_load %arg11[%get3A_184, %get3A_185] {strides = array<i32>} : memref<160x128xf32, #tpu.memory_space<vmem>>, vector<16xf32>,
        %mul3A_187 = arith.mulf %gather3A_183, %get3A_186 : vector<16xf32>
        %swap3A_188 = arith.index_cast %scan3A_148 : i32 to index
        %swap3A_189 = arith.constant 48 : index
        %swap3A_190 = tpu.vector_load %arg12[%swap3A_188, %swap3A_189] {strides = array<i32>} : memref<160x128xf32, #tpu.memory_space<vmem>>, vector<16xf32>,
        tpu.vector_store %arg12[%swap3A_188, %swap3A_189], %mul3A_187 {strides = array<i32>} : memref<160x128xf32, #tpu.memory_space<vmem>>, vector<16xf32>,
        %get3A_191 = arith.index_cast %scan3A_148 : i32 to index
        %get3A_192 = arith.constant 64 : index
        %get3A_193 = tpu.vector_load %arg9[%get3A_191, %get3A_192] {strides = array<i32>} : memref<160x128xi32, #tpu.memory_space<vmem>>, vector<16xi32>,
        %gather3A_194 = tpu.vector_load_idx %arg8[%get3A_193] : memref<10240xf32, #tpu.memory_space<vmem>>[vector<16xi32>], vector<16xf32>,
        %get3A_195 = arith.index_cast %scan3A_148 : i32 to index
        %get3A_196 = arith.constant 64 : index
        %get3A_197 = tpu.vector_load %arg11[%get3A_195, %get3A_196] {strides = array<i32>} : memref<160x128xf32, #tpu.memory_space<vmem>>, vector<16xf32>,
        %mul3A_198 = arith.mulf %gather3A_194, %get3A_197 : vector<16xf32>
        %swap3A_199 = arith.index_cast %scan3A_148 : i32 to index
        %swap3A_200 = arith.constant 64 : index
        %swap3A_201 = tpu.vector_load %arg12[%swap3A_199, %swap3A_200] {strides = array<i32>} : memref<160x128xf32, #tpu.memory_space<vmem>>, vector<16xf32>,
        tpu.vector_store %arg12[%swap3A_199, %swap3A_200], %mul3A_198 {strides = array<i32>} : memref<160x128xf32, #tpu.memory_space<vmem>>, vector<16xf32>,
        %get3A_202 = arith.index_cast %scan3A_148 : i32 to index
        %get3A_203 = arith.constant 80 : index
        %get3A_204 = tpu.vector_load %arg9[%get3A_202, %get3A_203] {strides = array<i32>} : memref<160x128xi32, #tpu.memory_space<vmem>>, vector<16xi32>,
        %gather3A_205 = tpu.vector_load_idx %arg8[%get3A_204] : memref<10240xf32, #tpu.memory_space<vmem>>[vector<16xi32>], vector<16xf32>,
        %get3A_206 = arith.index_cast %scan3A_148 : i32 to index
        %get3A_207 = arith.constant 80 : index
        %get3A_208 = tpu.vector_load %arg11[%get3A_206, %get3A_207] {strides = array<i32>} : memref<160x128xf32, #tpu.memory_space<vmem>>, vector<16xf32>,
        %mul3A_209 = arith.mulf %gather3A_205, %get3A_208 : vector<16xf32>
        %swap3A_210 = arith.index_cast %scan3A_148 : i32 to index
        %swap3A_211 = arith.constant 80 : index
        %swap3A_212 = tpu.vector_load %arg12[%swap3A_210, %swap3A_211] {strides = array<i32>} : memref<160x128xf32, #tpu.memory_space<vmem>>, vector<16xf32>,
        tpu.vector_store %arg12[%swap3A_210, %swap3A_211], %mul3A_209 {strides = array<i32>} : memref<160x128xf32, #tpu.memory_space<vmem>>, vector<16xf32>,
        %get3A_213 = arith.index_cast %scan3A_148 : i32 to index
        %get3A_214 = arith.constant 96 : index
        %get3A_215 = tpu.vector_load %arg9[%get3A_213, %get3A_214] {strides = array<i32>} : memref<160x128xi32, #tpu.memory_space<vmem>>, vector<16xi32>,
        %gather3A_216 = tpu.vector_load_idx %arg8[%get3A_215] : memref<10240xf32, #tpu.memory_space<vmem>>[vector<16xi32>], vector<16xf32>,
        %get3A_217 = arith.index_cast %scan3A_148 : i32 to index
        %get3A_218 = arith.constant 96 : index
        %get3A_219 = tpu.vector_load %arg11[%get3A_217, %get3A_218] {strides = array<i32>} : memref<160x128xf32, #tpu.memory_space<vmem>>, vector<16xf32>,
        %mul3A_220 = arith.mulf %gather3A_216, %get3A_219 : vector<16xf32>
        %swap3A_221 = arith.index_cast %scan3A_148 : i32 to index
        %swap3A_222 = arith.constant 96 : index
        %swap3A_223 = tpu.vector_load %arg12[%swap3A_221, %swap3A_222] {strides = array<i32>} : memref<160x128xf32, #tpu.memory_space<vmem>>, vector<16xf32>,
        tpu.vector_store %arg12[%swap3A_221, %swap3A_222], %mul3A_220 {strides = array<i32>} : memref<160x128xf32, #tpu.memory_space<vmem>>, vector<16xf32>,
        %get3A_224 = arith.index_cast %scan3A_148 : i32 to index
        %get3A_225 = arith.constant 112 : index
        %get3A_226 = tpu.vector_load %arg9[%get3A_224, %get3A_225] {strides = array<i32>} : memref<160x128xi32, #tpu.memory_space<vmem>>, vector<16xi32>,
        %gather3A_227 = tpu.vector_load_idx %arg8[%get3A_226] : memref<10240xf32, #tpu.memory_space<vmem>>[vector<16xi32>], vector<16xf32>,
        %get3A_228 = arith.index_cast %scan3A_148 : i32 to index
        %get3A_229 = arith.constant 112 : index
        %get3A_230 = tpu.vector_load %arg11[%get3A_228, %get3A_229] {strides = array<i32>} : memref<160x128xf32, #tpu.memory_space<vmem>>, vector<16xf32>,
        %mul3A_231 = arith.mulf %gather3A_227, %get3A_230 : vector<16xf32>
        %swap3A_232 = arith.index_cast %scan3A_148 : i32 to index
        %swap3A_233 = arith.constant 112 : index
        %swap3A_234 = tpu.vector_load %arg12[%swap3A_232, %swap3A_233] {strides = array<i32>} : memref<160x128xf32, #tpu.memory_space<vmem>>, vector<16xf32>,
        tpu.vector_store %arg12[%swap3A_232, %swap3A_233], %mul3A_231 {strides = array<i32>} : memref<160x128xf32, #tpu.memory_space<vmem>>, vector<16xf32>,
        %dma_start3A = arith.constant 0 : i32
        %dma_start3A_235 = tpu.memref_slice %arg12[%scan3A_148, %dma_start3A] : memref<160x128xf32, #tpu.memory_space<vmem>> -> memref<1x128xf32, #tpu.memory_space<vmem>>
        %dma_start3A_236 = tpu.memref_squeeze %dma_start3A_235 : memref<1x128xf32, #tpu.memory_space<vmem>> -> memref<128xf32, #tpu.memory_space<vmem>>
        %dma_start3A_237 = arith.constant 0 : i32
        %dma_start3A_238 = tpu.memref_slice %arg10[%scan3A_148, %dma_start3A_237] : memref<160x128xi32, #tpu.memory_space<vmem>> -> memref<1x128xi32, #tpu.memory_space<vmem>>
        %dma_start3A_239 = tpu.memref_squeeze %dma_start3A_238 : memref<1x128xi32, #tpu.memory_space<vmem>> -> memref<128xi32, #tpu.memory_space<vmem>>
        %dma_start3A_240 = arith.constant 0 : i32
        %dma_start3A_241 = tpu.memref_slice %arg17[%rem3A_73, %dma_start3A_240] : memref<2x10240xf32, #tpu.memory_space<vmem_shared>> -> memref<1x10240xf32, #tpu.memory_space<vmem_shared>>
        %dma_start3A_242 = tpu.memref_squeeze %dma_start3A_241 : memref<1x10240xf32, #tpu.memory_space<vmem_shared>> -> memref<10240xf32, #tpu.memory_space<vmem_shared>>
        %dma_start3A_243 = arith.constant 0 : i32
        %dma_start3A_244 = tpu.memref_slice %dma_start3A_242[%dma_start3A_243] : memref<10240xf32, #tpu.memory_space<vmem_shared>> -> memref<10240xf32, #tpu.memory_space<vmem_shared>>
        tpu.enqueue_indirect_dma source(%dma_start3A_236 : memref<128xf32, #tpu.memory_space<vmem>>) target(%dma_start3A_244 : memref<10240xf32, #tpu.memory_space<vmem_shared>>) offsets(%dma_start3A_239 : memref<128xi32, #tpu.memory_space<vmem>>) semaphore(%arg18 : memref<!tpu.dma_semaphore, #tpu.memory_space<semaphore_mem>>) {add = true}
      }
      %scan3A_80 = arith.constant 160 : i32
      %scan3A_81 = arith.constant 0 : i32
      %scan3A_82 = arith.constant 0 : i32
      %scan3A_83 = arith.constant 160 : i32
      %scan3A_84 = arith.addi %scan3A_82, %scan3A_83 : i32
      %scan3A_85 = arith.constant 1 : i32
      scf.for %scan3A_148 = %scan3A_82 to %scan3A_84 step %scan3A_85  : i32 {
        %dma_wait3A = arith.constant 0 : i32
        %dma_wait3A_149 = tpu.memref_slice %arg12[%scan3A_148, %dma_wait3A] : memref<160x128xf32, #tpu.memory_space<vmem>> -> memref<1x128xf32, #tpu.memory_space<vmem>>
        %dma_wait3A_150 = tpu.memref_squeeze %dma_wait3A_149 : memref<1x128xf32, #tpu.memory_space<vmem>> -> memref<128xf32, #tpu.memory_space<vmem>>
        %dma_wait3A_151 = arith.constant 0 : i32
        %dma_wait3A_152 = tpu.memref_slice %arg10[%scan3A_148, %dma_wait3A_151] : memref<160x128xi32, #tpu.memory_space<vmem>> -> memref<1x128xi32, #tpu.memory_space<vmem>>
        %dma_wait3A_153 = tpu.memref_squeeze %dma_wait3A_152 : memref<1x128xi32, #tpu.memory_space<vmem>> -> memref<128xi32, #tpu.memory_space<vmem>>
        %dma_wait3A_154 = arith.constant 0 : i32
        %dma_wait3A_155 = tpu.memref_slice %arg17[%rem3A_73, %dma_wait3A_154] : memref<2x10240xf32, #tpu.memory_space<vmem_shared>> -> memref<1x10240xf32, #tpu.memory_space<vmem_shared>>
        %dma_wait3A_156 = tpu.memref_squeeze %dma_wait3A_155 : memref<1x10240xf32, #tpu.memory_space<vmem_shared>> -> memref<10240xf32, #tpu.memory_space<vmem_shared>>
        %dma_wait3A_157 = arith.constant 0 : i32
        %dma_wait3A_158 = tpu.memref_slice %dma_wait3A_156[%dma_wait3A_157] : memref<10240xf32, #tpu.memory_space<vmem_shared>> -> memref<10240xf32, #tpu.memory_space<vmem_shared>>
        tpu.wait_indirect_dma semaphore(%arg18 : memref<!tpu.dma_semaphore, #tpu.memory_space<semaphore_mem>>) src(%dma_wait3A_150 : memref<128xf32, #tpu.memory_space<vmem>>) dst(%dma_wait3A_158 : memref<10240xf32, #tpu.memory_space<vmem_shared>>)
      }
      %scan3A_86 = arith.constant 160 : i32
      %barrier3A_87 = arith.constant 0 : index
      tpu.barrier barrier_id(%barrier3A_87)
      "tpu.region"() ({
        %run_scoped3A_148 = tpu.sem_alloc : memref<!tpu.dma_semaphore, #tpu.memory_space<semaphore_mem>>
        %dma_start3A = arith.constant 0 : i32
        %dma_start3A_149 = tpu.memref_slice %arg17[%rem3A_73, %dma_start3A] : memref<2x10240xf32, #tpu.memory_space<vmem_shared>> -> memref<1x10240xf32, #tpu.memory_space<vmem_shared>>
        %dma_start3A_150 = tpu.memref_squeeze %dma_start3A_149 : memref<1x10240xf32, #tpu.memory_space<vmem_shared>> -> memref<10240xf32, #tpu.memory_space<vmem_shared>>
        %dma_start3A_151 = arith.constant 0 : i32
        %dma_start3A_152 = tpu.memref_slice %arg17[%rem3A_73, %dma_start3A_151] : memref<2x10240xf32, #tpu.memory_space<vmem_shared>> -> memref<1x10240xf32, #tpu.memory_space<vmem_shared>>
        %dma_start3A_153 = tpu.memref_squeeze %dma_start3A_152 : memref<1x10240xf32, #tpu.memory_space<vmem_shared>> -> memref<10240xf32, #tpu.memory_space<vmem_shared>>
        tpu.enqueue_dma source(%dma_start3A_153 : memref<10240xf32, #tpu.memory_space<vmem_shared>>) target(%arg8 : memref<10240xf32, #tpu.memory_space<vmem>>) target_semaphore(%run_scoped3A_148 : memref<!tpu.dma_semaphore, #tpu.memory_space<semaphore_mem>>)
        %dma_wait3A = arith.constant 0 : i32
        %dma_wait3A_154 = tpu.memref_slice %arg17[%rem3A_73, %dma_wait3A] : memref<2x10240xf32, #tpu.memory_space<vmem_shared>> -> memref<1x10240xf32, #tpu.memory_space<vmem_shared>>
        %dma_wait3A_155 = tpu.memref_squeeze %dma_wait3A_154 : memref<1x10240xf32, #tpu.memory_space<vmem_shared>> -> memref<10240xf32, #tpu.memory_space<vmem_shared>>
        %dma_wait3A_156 = arith.constant 0 : i32
        %dma_wait3A_157 = tpu.memref_slice %arg17[%rem3A_73, %dma_wait3A_156] : memref<2x10240xf32, #tpu.memory_space<vmem_shared>> -> memref<1x10240xf32, #tpu.memory_space<vmem_shared>>
        %dma_wait3A_158 = tpu.memref_squeeze %dma_wait3A_157 : memref<1x10240xf32, #tpu.memory_space<vmem_shared>> -> memref<10240xf32, #tpu.memory_space<vmem_shared>>
        tpu.wait_dma2 semaphore(%run_scoped3A_148 : memref<!tpu.dma_semaphore, #tpu.memory_space<semaphore_mem>>) src(%dma_wait3A_158 : memref<10240xf32, #tpu.memory_space<vmem_shared>>) dst(%arg8 : memref<10240xf32, #tpu.memory_space<vmem>>)
        tpu.yield
      }) : () -> ()
      %sub3A_88 = arith.constant 1 : i32
      %sub3A_89 = arith.subi %scan3A_72, %sub3A_88 : i32
      %jit3A = arith.constant 2 : i32
      %div3A = arith.divsi %sub3A_89, %jit3A : i32
      %sign3A = arith.constant 0 : i32
      %sign3A_90 = arith.cmpi sgt, %sub3A_89, %sign3A : i32
      %sign3A_91 = arith.extui %sign3A_90 : i1 to i32
      %sign3A_92 = arith.constant 0 : i32
      %sign3A_93 = arith.cmpi slt, %sub3A_89, %sign3A_92 : i32
      %sign3A_94 = arith.extui %sign3A_93 : i1 to i32
      %sign3A_95 = arith.subi %sign3A_91, %sign3A_94 : i32
      %sign3A_96 = arith.constant 0 : i32
      %sign3A_97 = arith.cmpi sgt, %jit3A, %sign3A_96 : i32
      %sign3A_98 = arith.extui %sign3A_97 : i1 to i32
      %sign3A_99 = arith.constant 0 : i32
      %sign3A_100 = arith.cmpi slt, %jit3A, %sign3A_99 : i32
      %sign3A_101 = arith.extui %sign3A_100 : i1 to i32
      %sign3A_102 = arith.subi %sign3A_98, %sign3A_101 : i32
      %ne3A = arith.cmpi ne, %sign3A_95, %sign3A_102 : i32
      %rem3A_103 = arith.remsi %sub3A_89, %jit3A : i32
      %ne3A_104 = arith.constant 0 : i32
      %ne3A_105 = arith.cmpi ne, %rem3A_103, %ne3A_104 : i32
      %and3A = arith.andi %ne3A, %ne3A_105 : i1
      %sub3A_106 = arith.constant 1 : i32
      %sub3A_107 = arith.subi %div3A, %sub3A_106 : i32
      %select_n3A = arith.select %and3A, %sub3A_107, %div3A : i32
      %max3A = arith.constant 0 : i32
      %max3A_108 = arith.maxsi %max3A, %select_n3A : i32
      %jit3A_109 = arith.constant 2 : i32
      %div3A_110 = arith.divsi %scan3A_72, %jit3A_109 : i32
      %sign3A_111 = arith.constant 0 : i32
      %sign3A_112 = arith.cmpi sgt, %scan3A_72, %sign3A_111 : i32
      %sign3A_113 = arith.extui %sign3A_112 : i1 to i32
      %sign3A_114 = arith.constant 0 : i32
      %sign3A_115 = arith.cmpi slt, %scan3A_72, %sign3A_114 : i32
      %sign3A_116 = arith.extui %sign3A_115 : i1 to i32
      %sign3A_117 = arith.subi %sign3A_113, %sign3A_116 : i32
      %sign3A_118 = arith.constant 0 : i32
      %sign3A_119 = arith.cmpi sgt, %jit3A_109, %sign3A_118 : i32
      %sign3A_120 = arith.extui %sign3A_119 : i1 to i32
      %sign3A_121 = arith.constant 0 : i32
      %sign3A_122 = arith.cmpi slt, %jit3A_109, %sign3A_121 : i32
      %sign3A_123 = arith.extui %sign3A_122 : i1 to i32
      %sign3A_124 = arith.subi %sign3A_120, %sign3A_123 : i32
      %ne3A_125 = arith.cmpi ne, %sign3A_117, %sign3A_124 : i32
      %rem3A_126 = arith.remsi %scan3A_72, %jit3A_109 : i32
      %ne3A_127 = arith.constant 0 : i32
      %ne3A_128 = arith.cmpi ne, %rem3A_126, %ne3A_127 : i32
      %and3A_129 = arith.andi %ne3A_125, %ne3A_128 : i1
      %sub3A_130 = arith.constant 1 : i32
      %sub3A_131 = arith.subi %div3A_110, %sub3A_130 : i32
      %select_n3A_132 = arith.select %and3A_129, %sub3A_131, %div3A_110 : i32
      %min3A = arith.constant 7 : i32
      %min3A_133 = arith.minsi %min3A, %select_n3A_132 : i32
      %mul3A_134 = arith.constant 8 : i32
      %mul3A_135 = arith.muli %scan3A_72, %mul3A_134 : i32
      %add3A = arith.addi %mul3A_135, %max3A_108 : i32
      %broadcast_in_dim3A_136 = vector.broadcast %add3A : i32 to vector<16xi32>
      %gather3A = tpu.vector_load_idx %arg16[%broadcast_in_dim3A_136] : memref<144xf32, #tpu.memory_space<vmem>>[vector<16xi32>], vector<16xf32>,
      %scan3A_137 = arith.constant 0 : i32
      %scan3A_138 = arith.constant 0 : i32
      %scan3A_139 = arith.constant 40 : i32
      %scan3A_140 = arith.addi %scan3A_138, %scan3A_139 : i32
      %scan3A_141 = arith.constant 1 : i32
      scf.for %scan3A_148 = %scan3A_138 to %scan3A_140 step %scan3A_141  : i32 {
        %mul3A_149 = arith.constant 640 : i32
        %mul3A_150 = arith.muli %max3A_108, %mul3A_149 : i32
        %mul3A_151 = arith.constant 16 : i32
        %mul3A_152 = arith.muli %scan3A_148, %mul3A_151 : i32
        %add3A_153 = arith.addi %mul3A_150, %mul3A_152 : i32
        %get3A = arith.index_cast %add3A_153 : i32 to index
        %get3A_154 = tpu.vector_load %arg13[%get3A] {strides = array<i32>} : memref<5120xf32, #tpu.memory_space<vmem>>, vector<16xf32>,
        %mul3A_155 = arith.constant 16 : i32
        %mul3A_156 = arith.muli %scan3A_148, %mul3A_155 : i32
        %add3A_157 = arith.addi %mul3A_2, %mul3A_156 : i32
        %get3A_158 = arith.index_cast %add3A_157 : i32 to index
        %get3A_159 = tpu.vector_load %arg8[%get3A_158] {strides = array<i32>} : memref<10240xf32, #tpu.memory_space<vmem>>, vector<16xf32>,
        %mul3A_160 = arith.mulf %gather3A, %get3A_159 : vector<16xf32>
        %add3A_161 = arith.addf %get3A_154, %mul3A_160 : vector<16xf32>
        %swap3A = arith.index_cast %add3A_153 : i32 to index
        %swap3A_162 = tpu.vector_load %arg13[%swap3A] {strides = array<i32>} : memref<5120xf32, #tpu.memory_space<vmem>>, vector<16xf32>,
        tpu.vector_store %arg13[%swap3A], %add3A_161 {strides = array<i32>} : memref<5120xf32, #tpu.memory_space<vmem>>, vector<16xf32>,
      }
      %scan3A_142 = arith.constant 40 : i32
      %ne3A_143 = arith.cmpi ne, %min3A_133, %max3A_108 : i32
      %convert_element_type3A_144 = arith.extui %ne3A_143 : i1 to i32
      %cond3A_145 = arith.constant 0 : i32
      %cond3A_146 = arith.cmpi ne, %convert_element_type3A_144, %cond3A_145 : i32
      scf.if %cond3A_146 {
        %mul3A_148 = arith.constant 8 : i32
        %mul3A_149 = arith.muli %scan3A_72, %mul3A_148 : i32
        %add3A_150 = arith.addi %mul3A_149, %min3A_133 : i32
        %broadcast_in_dim3A_151 = vector.broadcast %add3A_150 : i32 to vector<16xi32>
        %gather3A_152 = tpu.vector_load_idx %arg16[%broadcast_in_dim3A_151] : memref<144xf32, #tpu.memory_space<vmem>>[vector<16xi32>], vector<16xf32>,
        %scan3A_153 = arith.constant 0 : i32
        %scan3A_154 = arith.constant 0 : i32
        %scan3A_155 = arith.constant 40 : i32
        %scan3A_156 = arith.addi %scan3A_154, %scan3A_155 : i32
        %scan3A_157 = arith.constant 1 : i32
        scf.for %scan3A_159 = %scan3A_154 to %scan3A_156 step %scan3A_157  : i32 {
          %mul3A_160 = arith.constant 640 : i32
          %mul3A_161 = arith.muli %min3A_133, %mul3A_160 : i32
          %mul3A_162 = arith.constant 16 : i32
          %mul3A_163 = arith.muli %scan3A_159, %mul3A_162 : i32
          %add3A_164 = arith.addi %mul3A_161, %mul3A_163 : i32
          %get3A = arith.index_cast %add3A_164 : i32 to index
          %get3A_165 = tpu.vector_load %arg13[%get3A] {strides = array<i32>} : memref<5120xf32, #tpu.memory_space<vmem>>, vector<16xf32>,
          %mul3A_166 = arith.constant 16 : i32
          %mul3A_167 = arith.muli %scan3A_159, %mul3A_166 : i32
          %add3A_168 = arith.addi %mul3A_2, %mul3A_167 : i32
          %get3A_169 = arith.index_cast %add3A_168 : i32 to index
          %get3A_170 = tpu.vector_load %arg8[%get3A_169] {strides = array<i32>} : memref<10240xf32, #tpu.memory_space<vmem>>, vector<16xf32>,
          %mul3A_171 = arith.mulf %gather3A_152, %get3A_170 : vector<16xf32>
          %add3A_172 = arith.addf %get3A_165, %mul3A_171 : vector<16xf32>
          %swap3A = arith.index_cast %add3A_164 : i32 to index
          %swap3A_173 = tpu.vector_load %arg13[%swap3A] {strides = array<i32>} : memref<5120xf32, #tpu.memory_space<vmem>>, vector<16xf32>,
          tpu.vector_store %arg13[%swap3A], %add3A_172 {strides = array<i32>} : memref<5120xf32, #tpu.memory_space<vmem>>, vector<16xf32>,
        }
        %scan3A_158 = arith.constant 40 : i32
      } else {
      }
      "tpu.region"() ({
        %run_scoped3A_148 = tpu.sem_alloc : memref<!tpu.dma_semaphore, #tpu.memory_space<semaphore_mem>>
        %dma_start3A = arith.constant 0 : i32
        %dma_start3A_149 = tpu.memref_slice %arg17[%sub3A_74, %dma_start3A] : memref<2x10240xf32, #tpu.memory_space<vmem_shared>> -> memref<1x10240xf32, #tpu.memory_space<vmem_shared>>
        %dma_start3A_150 = tpu.memref_squeeze %dma_start3A_149 : memref<1x10240xf32, #tpu.memory_space<vmem_shared>> -> memref<10240xf32, #tpu.memory_space<vmem_shared>>
        %dma_start3A_151 = tpu.memref_slice %dma_start3A_150[%mul3A_2] : memref<10240xf32, #tpu.memory_space<vmem_shared>> -> memref<640xf32, #tpu.memory_space<vmem_shared>>
        %dma_start3A_152 = arith.constant 0 : i32
        %dma_start3A_153 = tpu.memref_slice %arg17[%sub3A_74, %dma_start3A_152] : memref<2x10240xf32, #tpu.memory_space<vmem_shared>> -> memref<1x10240xf32, #tpu.memory_space<vmem_shared>>
        %dma_start3A_154 = tpu.memref_squeeze %dma_start3A_153 : memref<1x10240xf32, #tpu.memory_space<vmem_shared>> -> memref<10240xf32, #tpu.memory_space<vmem_shared>>
        %dma_start3A_155 = tpu.memref_slice %dma_start3A_154[%mul3A_2] : memref<10240xf32, #tpu.memory_space<vmem_shared>> -> memref<640xf32, #tpu.memory_space<vmem_shared>>
        tpu.enqueue_dma source(%arg15 : memref<640xf32, #tpu.memory_space<vmem>>) target(%dma_start3A_155 : memref<640xf32, #tpu.memory_space<vmem_shared>>) target_semaphore(%run_scoped3A_148 : memref<!tpu.dma_semaphore, #tpu.memory_space<semaphore_mem>>)
        %dma_wait3A = arith.constant 0 : i32
        %dma_wait3A_156 = tpu.memref_slice %arg17[%sub3A_74, %dma_wait3A] : memref<2x10240xf32, #tpu.memory_space<vmem_shared>> -> memref<1x10240xf32, #tpu.memory_space<vmem_shared>>
        %dma_wait3A_157 = tpu.memref_squeeze %dma_wait3A_156 : memref<1x10240xf32, #tpu.memory_space<vmem_shared>> -> memref<10240xf32, #tpu.memory_space<vmem_shared>>
        %dma_wait3A_158 = tpu.memref_slice %dma_wait3A_157[%mul3A_2] : memref<10240xf32, #tpu.memory_space<vmem_shared>> -> memref<640xf32, #tpu.memory_space<vmem_shared>>
        %dma_wait3A_159 = arith.constant 0 : i32
        %dma_wait3A_160 = tpu.memref_slice %arg17[%sub3A_74, %dma_wait3A_159] : memref<2x10240xf32, #tpu.memory_space<vmem_shared>> -> memref<1x10240xf32, #tpu.memory_space<vmem_shared>>
        %dma_wait3A_161 = tpu.memref_squeeze %dma_wait3A_160 : memref<1x10240xf32, #tpu.memory_space<vmem_shared>> -> memref<10240xf32, #tpu.memory_space<vmem_shared>>
        %dma_wait3A_162 = tpu.memref_slice %dma_wait3A_161[%mul3A_2] : memref<10240xf32, #tpu.memory_space<vmem_shared>> -> memref<640xf32, #tpu.memory_space<vmem_shared>>
        tpu.wait_dma2 semaphore(%run_scoped3A_148 : memref<!tpu.dma_semaphore, #tpu.memory_space<semaphore_mem>>) src(%arg15 : memref<640xf32, #tpu.memory_space<vmem>>) dst(%dma_wait3A_162 : memref<640xf32, #tpu.memory_space<vmem_shared>>)
        tpu.yield
      }) : () -> ()
      %barrier3A_147 = arith.constant 0 : index
      tpu.barrier barrier_id(%barrier3A_147)
    }
    %scan3A_21 = arith.constant 17 : i32
    %iota3A = tpu.iota {dimensions = array<i32: 0>} : vector<16xi32>
    %scan3A_22 = arith.constant 0 : i32
    %scan3A_23 = arith.constant 0 : i32
    %scan3A_24 = arith.constant 40 : i32
    %scan3A_25 = arith.addi %scan3A_23, %scan3A_24 : i32
    %scan3A_26 = arith.constant 1 : i32
    scf.for %scan3A_72 = %scan3A_23 to %scan3A_25 step %scan3A_26  : i32 {
      %mul3A_73 = arith.constant 16 : i32
      %mul3A_74 = arith.muli %scan3A_72, %mul3A_73 : i32
      %add3A = arith.constant 0 : i32
      %add3A_75 = arith.addi %add3A, %mul3A_74 : i32
      %get3A = arith.index_cast %add3A_75 : i32 to index
      %get3A_76 = tpu.vector_load %arg13[%get3A] {strides = array<i32>} : memref<5120xf32, #tpu.memory_space<vmem>>, vector<16xf32>,
      %mul3A_77 = arith.constant 16 : i32
      %mul3A_78 = arith.muli %scan3A_72, %mul3A_77 : i32
      %add3A_79 = vector.broadcast %mul3A_78 : i32 to vector<16xi32>
      %add3A_80 = arith.addi %iota3A, %add3A_79 : vector<16xi32>
      %broadcast_in_dim3A_81 = arith.constant 0 : i32
      %broadcast_in_dim3A_82 = vector.broadcast %broadcast_in_dim3A_81 : i32 to vector<16xi32>
      tpu.vector_store_idx %arg14[%add3A_80, %broadcast_in_dim3A_82], %get3A_76 : memref<640x8xf32, #tpu.memory_space<vmem>>[vector<16xi32>, vector<16xi32>], vector<16xf32>,
    }
    %scan3A_27 = arith.constant 40 : i32
    %scan3A_28 = arith.constant 0 : i32
    %scan3A_29 = arith.constant 0 : i32
    %scan3A_30 = arith.constant 40 : i32
    %scan3A_31 = arith.addi %scan3A_29, %scan3A_30 : i32
    %scan3A_32 = arith.constant 1 : i32
    scf.for %scan3A_72 = %scan3A_29 to %scan3A_31 step %scan3A_32  : i32 {
      %mul3A_73 = arith.constant 16 : i32
      %mul3A_74 = arith.muli %scan3A_72, %mul3A_73 : i32
      %add3A = arith.constant 640 : i32
      %add3A_75 = arith.addi %add3A, %mul3A_74 : i32
      %get3A = arith.index_cast %add3A_75 : i32 to index
      %get3A_76 = tpu.vector_load %arg13[%get3A] {strides = array<i32>} : memref<5120xf32, #tpu.memory_space<vmem>>, vector<16xf32>,
      %mul3A_77 = arith.constant 16 : i32
      %mul3A_78 = arith.muli %scan3A_72, %mul3A_77 : i32
      %add3A_79 = vector.broadcast %mul3A_78 : i32 to vector<16xi32>
      %add3A_80 = arith.addi %iota3A, %add3A_79 : vector<16xi32>
      %broadcast_in_dim3A_81 = arith.constant 1 : i32
      %broadcast_in_dim3A_82 = vector.broadcast %broadcast_in_dim3A_81 : i32 to vector<16xi32>
      tpu.vector_store_idx %arg14[%add3A_80, %broadcast_in_dim3A_82], %get3A_76 : memref<640x8xf32, #tpu.memory_space<vmem>>[vector<16xi32>, vector<16xi32>], vector<16xf32>,
    }
    %scan3A_33 = arith.constant 40 : i32
    %scan3A_34 = arith.constant 0 : i32
    %scan3A_35 = arith.constant 0 : i32
    %scan3A_36 = arith.constant 40 : i32
    %scan3A_37 = arith.addi %scan3A_35, %scan3A_36 : i32
    %scan3A_38 = arith.constant 1 : i32
    scf.for %scan3A_72 = %scan3A_35 to %scan3A_37 step %scan3A_38  : i32 {
      %mul3A_73 = arith.constant 16 : i32
      %mul3A_74 = arith.muli %scan3A_72, %mul3A_73 : i32
      %add3A = arith.constant 1280 : i32
      %add3A_75 = arith.addi %add3A, %mul3A_74 : i32
      %get3A = arith.index_cast %add3A_75 : i32 to index
      %get3A_76 = tpu.vector_load %arg13[%get3A] {strides = array<i32>} : memref<5120xf32, #tpu.memory_space<vmem>>, vector<16xf32>,
      %mul3A_77 = arith.constant 16 : i32
      %mul3A_78 = arith.muli %scan3A_72, %mul3A_77 : i32
      %add3A_79 = vector.broadcast %mul3A_78 : i32 to vector<16xi32>
      %add3A_80 = arith.addi %iota3A, %add3A_79 : vector<16xi32>
      %broadcast_in_dim3A_81 = arith.constant 2 : i32
      %broadcast_in_dim3A_82 = vector.broadcast %broadcast_in_dim3A_81 : i32 to vector<16xi32>
      tpu.vector_store_idx %arg14[%add3A_80, %broadcast_in_dim3A_82], %get3A_76 : memref<640x8xf32, #tpu.memory_space<vmem>>[vector<16xi32>, vector<16xi32>], vector<16xf32>,
    }
    %scan3A_39 = arith.constant 40 : i32
    %scan3A_40 = arith.constant 0 : i32
    %scan3A_41 = arith.constant 0 : i32
    %scan3A_42 = arith.constant 40 : i32
    %scan3A_43 = arith.addi %scan3A_41, %scan3A_42 : i32
    %scan3A_44 = arith.constant 1 : i32
    scf.for %scan3A_72 = %scan3A_41 to %scan3A_43 step %scan3A_44  : i32 {
      %mul3A_73 = arith.constant 16 : i32
      %mul3A_74 = arith.muli %scan3A_72, %mul3A_73 : i32
      %add3A = arith.constant 1920 : i32
      %add3A_75 = arith.addi %add3A, %mul3A_74 : i32
      %get3A = arith.index_cast %add3A_75 : i32 to index
      %get3A_76 = tpu.vector_load %arg13[%get3A] {strides = array<i32>} : memref<5120xf32, #tpu.memory_space<vmem>>, vector<16xf32>,
      %mul3A_77 = arith.constant 16 : i32
      %mul3A_78 = arith.muli %scan3A_72, %mul3A_77 : i32
      %add3A_79 = vector.broadcast %mul3A_78 : i32 to vector<16xi32>
      %add3A_80 = arith.addi %iota3A, %add3A_79 : vector<16xi32>
      %broadcast_in_dim3A_81 = arith.constant 3 : i32
      %broadcast_in_dim3A_82 = vector.broadcast %broadcast_in_dim3A_81 : i32 to vector<16xi32>
      tpu.vector_store_idx %arg14[%add3A_80, %broadcast_in_dim3A_82], %get3A_76 : memref<640x8xf32, #tpu.memory_space<vmem>>[vector<16xi32>, vector<16xi32>], vector<16xf32>,
    }
    %scan3A_45 = arith.constant 40 : i32
    %scan3A_46 = arith.constant 0 : i32
    %scan3A_47 = arith.constant 0 : i32
    %scan3A_48 = arith.constant 40 : i32
    %scan3A_49 = arith.addi %scan3A_47, %scan3A_48 : i32
    %scan3A_50 = arith.constant 1 : i32
    scf.for %scan3A_72 = %scan3A_47 to %scan3A_49 step %scan3A_50  : i32 {
      %mul3A_73 = arith.constant 16 : i32
      %mul3A_74 = arith.muli %scan3A_72, %mul3A_73 : i32
      %add3A = arith.constant 2560 : i32
      %add3A_75 = arith.addi %add3A, %mul3A_74 : i32
      %get3A = arith.index_cast %add3A_75 : i32 to index
      %get3A_76 = tpu.vector_load %arg13[%get3A] {strides = array<i32>} : memref<5120xf32, #tpu.memory_space<vmem>>, vector<16xf32>,
      %mul3A_77 = arith.constant 16 : i32
      %mul3A_78 = arith.muli %scan3A_72, %mul3A_77 : i32
      %add3A_79 = vector.broadcast %mul3A_78 : i32 to vector<16xi32>
      %add3A_80 = arith.addi %iota3A, %add3A_79 : vector<16xi32>
      %broadcast_in_dim3A_81 = arith.constant 4 : i32
      %broadcast_in_dim3A_82 = vector.broadcast %broadcast_in_dim3A_81 : i32 to vector<16xi32>
      tpu.vector_store_idx %arg14[%add3A_80, %broadcast_in_dim3A_82], %get3A_76 : memref<640x8xf32, #tpu.memory_space<vmem>>[vector<16xi32>, vector<16xi32>], vector<16xf32>,
    }
    %scan3A_51 = arith.constant 40 : i32
    %scan3A_52 = arith.constant 0 : i32
    %scan3A_53 = arith.constant 0 : i32
    %scan3A_54 = arith.constant 40 : i32
    %scan3A_55 = arith.addi %scan3A_53, %scan3A_54 : i32
    %scan3A_56 = arith.constant 1 : i32
    scf.for %scan3A_72 = %scan3A_53 to %scan3A_55 step %scan3A_56  : i32 {
      %mul3A_73 = arith.constant 16 : i32
      %mul3A_74 = arith.muli %scan3A_72, %mul3A_73 : i32
      %add3A = arith.constant 3200 : i32
      %add3A_75 = arith.addi %add3A, %mul3A_74 : i32
      %get3A = arith.index_cast %add3A_75 : i32 to index
      %get3A_76 = tpu.vector_load %arg13[%get3A] {strides = array<i32>} : memref<5120xf32, #tpu.memory_space<vmem>>, vector<16xf32>,
      %mul3A_77 = arith.constant 16 : i32
      %mul3A_78 = arith.muli %scan3A_72, %mul3A_77 : i32
      %add3A_79 = vector.broadcast %mul3A_78 : i32 to vector<16xi32>
      %add3A_80 = arith.addi %iota3A, %add3A_79 : vector<16xi32>
      %broadcast_in_dim3A_81 = arith.constant 5 : i32
      %broadcast_in_dim3A_82 = vector.broadcast %broadcast_in_dim3A_81 : i32 to vector<16xi32>
      tpu.vector_store_idx %arg14[%add3A_80, %broadcast_in_dim3A_82], %get3A_76 : memref<640x8xf32, #tpu.memory_space<vmem>>[vector<16xi32>, vector<16xi32>], vector<16xf32>,
    }
    %scan3A_57 = arith.constant 40 : i32
    %scan3A_58 = arith.constant 0 : i32
    %scan3A_59 = arith.constant 0 : i32
    %scan3A_60 = arith.constant 40 : i32
    %scan3A_61 = arith.addi %scan3A_59, %scan3A_60 : i32
    %scan3A_62 = arith.constant 1 : i32
    scf.for %scan3A_72 = %scan3A_59 to %scan3A_61 step %scan3A_62  : i32 {
      %mul3A_73 = arith.constant 16 : i32
      %mul3A_74 = arith.muli %scan3A_72, %mul3A_73 : i32
      %add3A = arith.constant 3840 : i32
      %add3A_75 = arith.addi %add3A, %mul3A_74 : i32
      %get3A = arith.index_cast %add3A_75 : i32 to index
      %get3A_76 = tpu.vector_load %arg13[%get3A] {strides = array<i32>} : memref<5120xf32, #tpu.memory_space<vmem>>, vector<16xf32>,
      %mul3A_77 = arith.constant 16 : i32
      %mul3A_78 = arith.muli %scan3A_72, %mul3A_77 : i32
      %add3A_79 = vector.broadcast %mul3A_78 : i32 to vector<16xi32>
      %add3A_80 = arith.addi %iota3A, %add3A_79 : vector<16xi32>
      %broadcast_in_dim3A_81 = arith.constant 6 : i32
      %broadcast_in_dim3A_82 = vector.broadcast %broadcast_in_dim3A_81 : i32 to vector<16xi32>
      tpu.vector_store_idx %arg14[%add3A_80, %broadcast_in_dim3A_82], %get3A_76 : memref<640x8xf32, #tpu.memory_space<vmem>>[vector<16xi32>, vector<16xi32>], vector<16xf32>,
    }
    %scan3A_63 = arith.constant 40 : i32
    %scan3A_64 = arith.constant 0 : i32
    %scan3A_65 = arith.constant 0 : i32
    %scan3A_66 = arith.constant 40 : i32
    %scan3A_67 = arith.addi %scan3A_65, %scan3A_66 : i32
    %scan3A_68 = arith.constant 1 : i32
    scf.for %scan3A_72 = %scan3A_65 to %scan3A_67 step %scan3A_68  : i32 {
      %mul3A_73 = arith.constant 16 : i32
      %mul3A_74 = arith.muli %scan3A_72, %mul3A_73 : i32
      %add3A = arith.constant 4480 : i32
      %add3A_75 = arith.addi %add3A, %mul3A_74 : i32
      %get3A = arith.index_cast %add3A_75 : i32 to index
      %get3A_76 = tpu.vector_load %arg13[%get3A] {strides = array<i32>} : memref<5120xf32, #tpu.memory_space<vmem>>, vector<16xf32>,
      %mul3A_77 = arith.constant 16 : i32
      %mul3A_78 = arith.muli %scan3A_72, %mul3A_77 : i32
      %add3A_79 = vector.broadcast %mul3A_78 : i32 to vector<16xi32>
      %add3A_80 = arith.addi %iota3A, %add3A_79 : vector<16xi32>
      %broadcast_in_dim3A_81 = arith.constant 7 : i32
      %broadcast_in_dim3A_82 = vector.broadcast %broadcast_in_dim3A_81 : i32 to vector<16xi32>
      tpu.vector_store_idx %arg14[%add3A_80, %broadcast_in_dim3A_82], %get3A_76 : memref<640x8xf32, #tpu.memory_space<vmem>>[vector<16xi32>, vector<16xi32>], vector<16xf32>,
    }
    %scan3A_69 = arith.constant 40 : i32
    %eq3A = arith.constant 0 : i32
    %eq3A_70 = arith.cmpi eq, %arg0, %eq3A : i32
    %convert_element_type3A = arith.extui %eq3A_70 : i1 to i32
    %cond3A = arith.constant 0 : i32
    %cond3A_71 = arith.cmpi ne, %convert_element_type3A, %cond3A : i32
    scf.if %cond3A_71 {
      %lt3A = arith.constant 15 : i32
      %lt3A_72 = arith.cmpi slt, %arg1, %lt3A : i32
      %convert_element_type3A_73 = arith.extui %lt3A_72 : i1 to i32
      %cond3A_74 = arith.constant 0 : i32
      %cond3A_75 = arith.cmpi ne, %convert_element_type3A_73, %cond3A_74 : i32
      scf.if %cond3A_75 {
        "tpu.region"() ({
          %run_scoped3A_81 = tpu.sem_alloc : memref<!tpu.dma_semaphore, #tpu.memory_space<semaphore_mem>>
          %dma_start3A = arith.constant 0 : i32
          %dma_start3A_82 = tpu.memref_slice %arg7[%mul3A_2, %dma_start3A] : memref<10000x8xf32, #tpu.memory_space<hbm>> -> memref<640x8xf32, #tpu.memory_space<hbm>>
          %dma_start3A_83 = arith.constant 0 : i32
          %dma_start3A_84 = tpu.memref_slice %arg7[%mul3A_2, %dma_start3A_83] : memref<10000x8xf32, #tpu.memory_space<hbm>> -> memref<640x8xf32, #tpu.memory_space<hbm>>
          tpu.enqueue_dma source(%arg14 : memref<640x8xf32, #tpu.memory_space<vmem>>) target(%dma_start3A_84 : memref<640x8xf32, #tpu.memory_space<hbm>>) target_semaphore(%run_scoped3A_81 : memref<!tpu.dma_semaphore, #tpu.memory_space<semaphore_mem>>)
          %dma_wait3A = arith.constant 0 : i32
          %dma_wait3A_85 = tpu.memref_slice %arg7[%mul3A_2, %dma_wait3A] : memref<10000x8xf32, #tpu.memory_space<hbm>> -> memref<640x8xf32, #tpu.memory_space<hbm>>
          %dma_wait3A_86 = arith.constant 0 : i32
          %dma_wait3A_87 = tpu.memref_slice %arg7[%mul3A_2, %dma_wait3A_86] : memref<10000x8xf32, #tpu.memory_space<hbm>> -> memref<640x8xf32, #tpu.memory_space<hbm>>
          tpu.wait_dma2 semaphore(%run_scoped3A_81 : memref<!tpu.dma_semaphore, #tpu.memory_space<semaphore_mem>>) src(%arg14 : memref<640x8xf32, #tpu.memory_space<vmem>>) dst(%dma_wait3A_87 : memref<640x8xf32, #tpu.memory_space<hbm>>)
          tpu.yield
        }) : () -> ()
      } else {
      }
      %eq3A_76 = arith.constant 15 : i32
      %eq3A_77 = arith.cmpi eq, %arg1, %eq3A_76 : i32
      %convert_element_type3A_78 = arith.extui %eq3A_77 : i1 to i32
      %cond3A_79 = arith.constant 0 : i32
      %cond3A_80 = arith.cmpi ne, %convert_element_type3A_78, %cond3A_79 : i32
      scf.if %cond3A_80 {
        "tpu.region"() ({
          %run_scoped3A_81 = tpu.sem_alloc : memref<!tpu.dma_semaphore, #tpu.memory_space<semaphore_mem>>
          %dma_start3A = arith.constant 0 : i32
          %dma_start3A_82 = arith.constant 0 : i32
          %dma_start3A_83 = tpu.memref_slice %arg14[%dma_start3A, %dma_start3A_82] : memref<640x8xf32, #tpu.memory_space<vmem>> -> memref<400x8xf32, #tpu.memory_space<vmem>>
          %dma_start3A_84 = arith.constant 9600 : i32
          %dma_start3A_85 = arith.constant 0 : i32
          %dma_start3A_86 = tpu.memref_slice %arg7[%dma_start3A_84, %dma_start3A_85] : memref<10000x8xf32, #tpu.memory_space<hbm>> -> memref<400x8xf32, #tpu.memory_space<hbm>>
          %dma_start3A_87 = arith.constant 9600 : i32
          %dma_start3A_88 = arith.constant 0 : i32
          %dma_start3A_89 = tpu.memref_slice %arg7[%dma_start3A_87, %dma_start3A_88] : memref<10000x8xf32, #tpu.memory_space<hbm>> -> memref<400x8xf32, #tpu.memory_space<hbm>>
          %dma_start3A_90 = arith.constant 0 : i32
          %dma_start3A_91 = arith.constant 0 : i32
          %dma_start3A_92 = tpu.memref_slice %arg14[%dma_start3A_90, %dma_start3A_91] : memref<640x8xf32, #tpu.memory_space<vmem>> -> memref<400x8xf32, #tpu.memory_space<vmem>>
          tpu.enqueue_dma source(%dma_start3A_92 : memref<400x8xf32, #tpu.memory_space<vmem>>) target(%dma_start3A_89 : memref<400x8xf32, #tpu.memory_space<hbm>>) target_semaphore(%run_scoped3A_81 : memref<!tpu.dma_semaphore, #tpu.memory_space<semaphore_mem>>)
          %dma_wait3A = arith.constant 0 : i32
          %dma_wait3A_93 = arith.constant 0 : i32
          %dma_wait3A_94 = tpu.memref_slice %arg14[%dma_wait3A, %dma_wait3A_93] : memref<640x8xf32, #tpu.memory_space<vmem>> -> memref<400x8xf32, #tpu.memory_space<vmem>>
          %dma_wait3A_95 = arith.constant 9600 : i32
          %dma_wait3A_96 = arith.constant 0 : i32
          %dma_wait3A_97 = tpu.memref_slice %arg7[%dma_wait3A_95, %dma_wait3A_96] : memref<10000x8xf32, #tpu.memory_space<hbm>> -> memref<400x8xf32, #tpu.memory_space<hbm>>
          %dma_wait3A_98 = arith.constant 9600 : i32
          %dma_wait3A_99 = arith.constant 0 : i32
          %dma_wait3A_100 = tpu.memref_slice %arg7[%dma_wait3A_98, %dma_wait3A_99] : memref<10000x8xf32, #tpu.memory_space<hbm>> -> memref<400x8xf32, #tpu.memory_space<hbm>>
          %dma_wait3A_101 = arith.constant 0 : i32
          %dma_wait3A_102 = arith.constant 0 : i32
          %dma_wait3A_103 = tpu.memref_slice %arg14[%dma_wait3A_101, %dma_wait3A_102] : memref<640x8xf32, #tpu.memory_space<vmem>> -> memref<400x8xf32, #tpu.memory_space<vmem>>
          tpu.wait_dma2 semaphore(%run_scoped3A_81 : memref<!tpu.dma_semaphore, #tpu.memory_space<semaphore_mem>>) src(%dma_wait3A_103 : memref<400x8xf32, #tpu.memory_space<vmem>>) dst(%dma_wait3A_100 : memref<400x8xf32, #tpu.memory_space<hbm>>)
          tpu.yield
        }) : () -> ()
      } else {
      }
    } else {
    }
    return
  }
}

module attributes {stable_mosaic.version = 14 : i64} {
  func.func @_rowsum_body(%arg0: memref<10000x128xf32, #tpu.memory_space<vmem>>, %arg1: memref<10000xf32, #tpu.memory_space<vmem>>) attributes {dimension_semantics = [], scalar_prefetch = 0 : i64, scratch_operands = 0 : i64, tpu.core_type = #tpu.core_type<tc>} {
    %get3A = arith.constant 0 : index
    %get3A_0 = arith.constant 0 : index
    %get3A_1 = vector.load %arg0[%get3A, %get3A_0] : memref<10000x128xf32, #tpu.memory_space<vmem>>, vector<10000x128xf32>
    %reduce_sum3A = arith.constant dense<0.000000e+00> : vector<10000xf32>
    %reduce_sum3A_2 = vector.multi_reduction <add>, %get3A_1, %reduce_sum3A [1] : vector<10000x128xf32> to vector<10000xf32>
    %swap3A = arith.constant 0 : index
    %swap3A_3 = vector.load %arg1[%swap3A] : memref<10000xf32, #tpu.memory_space<vmem>>, vector<10000xf32>
    tpu.vector_store %arg1[%swap3A], %reduce_sum3A_2 {strides = array<i32>} : memref<10000xf32, #tpu.memory_space<vmem>>, vector<10000xf32>,
    return
  }
}

</mosaic_0001>

<sc_bundles>
// kernel: kernel.4.cloned.1.call-start
scs
__scs_entry_jumppad:
0x0: {  	(pc) =	sbr.rel $0x88, $3  }
0x1: {  	(tag) =	ssettag $0x0;
	lr =	simm.s32 $0x1  }
0x2: {  	[smem:$0x3F9C] =	sst lr;
	_ =	strace $0xD0000000  }
0x3: {  	_ = 	snop  }
0x4: {  	_ = 	snop  }
0x5: {  	_ = 	snop  }
0x6: {  	_ = 	snop  }
0x7: {  	_ = 	snop  }
__scs_overlays_trampoline_lowered:
0x8: {  	[smem:$0x3FAB] =	sst s0  }
0x9: {  	[smem:$0x3FAC] =	sst s1  }
0xa: {  	[smem:$0x3FAD] =	sst s2  }
0xb: {  	[smem:$0x3FAE] =	sst s3  }
0xc: {  	[smem:$0x3FAF] =	sst s4  }
0xd: {  	[smem:$0x3FB0] =	sst s5  }
0xe: {  	[smem:$0x3FB1] =	sst s6  }
0xf: {  	[smem:$0x3FB2] =	sst s7  }
0x10: {  	[smem:$0x3FB3] =	sst s8  }
0x11: {  	[smem:$0x3FB4] =	sst s9;
	s0 =	simm.s32 @!p0 $0x0  }
0x12: {  	s1 =	sld [smem:$0x3F9A];
	s0 =	simm.s32 @p0 $0x1  }
0x13: {  	[smem:$0x3FB5] =	sst s0;
	s0 =	simm.s32 @!p1 $0x0  }
0x14: {  	s2 =	sld [smem:$0x3F99];
	s0 =	simm.s32 @p1 $0x1  }
0x15: {  	[smem:$0x3FB6] =	sst s0;
	s0 =	simm.s32 @!p2 $0x0  }
0x16: {  	s3 =	sld [smem:$0x3FDB];
	s0 =	simm.s32 @p2 $0x1  }
0x17: {  	s4 =	simm.s32 $0x1BF5;
	[smem:$0x3FB8] =	sst s0  }
0x18: {  	s0 =	sld [smem:$0x3F9B];
	_ =	swait.ge [sflag:s4], $0x0  }
0x19: {  	s7 =	sld [smem:$0x3F9C]  }
0x1a: {  	s8 =	sadd.s32 $0xFFFFE003, lr  }
0x1b: {  	s9 =	sadd.s32 $0xFFFFFEF7, lr;
	s5 =	simm.s32 $0xFFFFFFFF;
	p2 =	slt.u32 s8, $0xFFFFF086  }
0x1c: {  	p1 =	slt.u32 s9, $0xF7A;
	s5 =	simm.s32 @!p2 $0x0  }
0x1d: {  	s5 =	simm.s32 @p1 $0x1;
	p0 =	seq.s32 s7, s2  }
0x1e: {  	s7 =	smul.u32 @!p0 $0xF7A, s2;
	p2 =	seq.s32 @!p0 s5, $0x0  }
0x1f: {  	s9 =	smul.u32 $0xF7A, s1;
	s8 =	simm.s32 @!p0 $0x1BF5;
	p2 =	por !p2, p0  }
0x20: {  	[sflag:s8] =	ssyncset.s32 @!p0 $0xFFFFF086;
	s6 =	sadd.s32 @!p0 s3, s7;
	s7 =	simm.s32 @!p0 $0x108  }
0x21: {  	s3 =	sadd.s32 s3, s9;
	s6 =	sadd.s32 @!p0 $0x88, s6;
	s7 =	simm.s32 @p2 $0x1082  }
0x22: {  	[simem:s7], [sflag:s8] =	dma.local @!p0 [hbm:s6], $0xF7A  }
0x23: {  	s9 =	sor.u32 $0xD0000000, s2;
	s6 =	simm.s32 $0x108;
	_ =	swait.ge @!p0 [sflag:s8], $0x0  }
0x24: {  	s3 =	sadd.s32 $0x88, s3;
	s6 =	simm.s32 @!p1 $0x1082;
	[sflag:s4] =	ssyncset.s32 $0xFFFFF086  }
0x25: {  	[simem:s6], [sflag:s4] =	dma.local [hbm:s3], $0xF7A  }
0x26: {  	[smem:$0x3F9C] =	sst s1;
	(tag) =	ssettag s2;
	_ =	strace s9  }
0x27: {  	s1 =	sld [smem:$0x3FAC]  }
0x28: {  	s2 =	sld [smem:$0x3FAD]  }
0x29: {  	s4 =	sld [smem:$0x3FAF]  }
0x2a: {  	p0 =	seq.s32 s5, $0x0;
	s5 =	sld [smem:$0x3FB0]  }
0x2b: {  	s6 =	sld [smem:$0x3FB1]  }
0x2c: {  	s7 =	sld [smem:$0x3FB2]  }
0x2d: {  	s3 =	simm.s32 $0x108;
	s8 =	sld [smem:$0x3FB3]  }
0x2e: {  	s3 =	simm.s32 @!p0 $0x1082;
	s9 =	sld [smem:$0x3FB4]  }
0x2f: {  	lr =	sadd.s32 s0, s3;
	s0 =	sld [smem:$0x3FAB]  }
0x30: {  	s3 =	sld [smem:$0x3FAE]  }
0x31: {  	[smem:$0x3FB7] =	sst s10  }
0x32: {  	s10 =	sld [smem:$0x3FB5];
	_ =	sdelay $0x3  }
0x33: {  	p0 =	seq.s32 s10, $0x1;
	s10 =	sld [smem:$0x3FB7];
	_ =	sdelay $0x3  }
0x34: {  	[smem:$0x3FB7] =	sst s10  }
0x35: {  	s10 =	sld [smem:$0x3FB6];
	_ =	sdelay $0x3  }
0x36: {  	p1 =	seq.s32 s10, $0x1;
	s10 =	sld [smem:$0x3FB7];
	_ =	sdelay $0x3  }
0x37: {  	[smem:$0x3FB7] =	sst s10  }
0x38: {  	s10 =	sld [smem:$0x3FB8]  }
0x39: {  	_ = 	snop;
	(pc) =	sbr.ind lr, $3  }
0x3a: {  	_ = 	snop  }
0x3b: {  	_ = 	snop  }
0x3c: {  	p2 =	seq.s32 s10, $0x1;
	s10 =	sld [smem:$0x3FB7]  }
0x3d: {  	_ =	shalt  }
0x3e: {  	_ =	shalt  }
0x3f: {  	_ =	shalt  }
0x40: {  	_ =	shalt  }
0x41: {  	_ =	shalt  }
0x42: {  	_ =	shalt  }
0x43: {  	_ =	shalt  }
0x44: {  	_ =	shalt  }
0x45: {  	_ =	shalt  }
0x46: {  	_ =	shalt  }
0x47: {  	_ =	shalt  }
0x48: {  	_ =	shalt  }
0x49: {  	_ =	shalt  }
0x4a: {  	_ =	shalt  }
0x4b: {  	_ =	shalt  }
0x4c: {  	_ =	shalt  }
0x4d: {  	_ =	shalt  }
0x4e: {  	_ =	shalt  }
0x4f: {  	_ =	shalt  }
0x50: {  	_ =	shalt  }
0x51: {  	_ =	shalt  }
0x52: {  	_ =	shalt  }
0x53: {  	_ =	shalt  }
0x54: {  	_ =	shalt  }
0x55: {  	_ =	shalt  }
0x56: {  	_ =	shalt  }
0x57: {  	_ =	shalt  }
0x58: {  	_ =	shalt  }
0x59: {  	_ =	shalt  }
0x5a: {  	_ =	shalt  }
0x5b: {  	_ =	shalt  }
0x5c: {  	_ =	shalt  }
0x5d: {  	_ =	shalt  }
0x5e: {  	_ =	shalt  }
0x5f: {  	_ =	shalt  }
0x60: {  	_ =	shalt  }
0x61: {  	_ =	shalt  }
0x62: {  	_ =	shalt  }
0x63: {  	_ =	shalt  }
0x64: {  	_ =	shalt  }
0x65: {  	_ =	shalt  }
0x66: {  	_ =	shalt  }
0x67: {  	_ =	shalt  }
0x68: {  	_ =	shalt  }
0x69: {  	_ =	shalt  }
0x6a: {  	_ =	shalt  }
0x6b: {  	_ =	shalt  }
0x6c: {  	_ =	shalt  }
0x6d: {  	_ =	shalt  }
0x6e: {  	_ =	shalt  }
0x6f: {  	_ =	shalt  }
0x70: {  	_ =	shalt  }
0x71: {  	_ =	shalt  }
0x72: {  	_ =	shalt  }
0x73: {  	_ =	shalt  }
0x74: {  	_ =	shalt  }
0x75: {  	_ =	shalt  }
0x76: {  	_ =	shalt  }
0x77: {  	_ =	shalt  }
0x78: {  	_ =	shalt  }
0x79: {  	_ =	shalt  }
0x7a: {  	_ =	shalt  }
0x7b: {  	_ =	shalt  }
0x7c: {  	_ =	shalt  }
0x7d: {  	_ =	shalt  }
0x7e: {  	_ =	shalt  }
0x7f: {  	_ =	shalt  }
0x80: {  	_ =	shalt  }
0x81: {  	_ =	shalt  }
0x82: {  	_ =	shalt  }
0x83: {  	_ =	shalt  }
0x84: {  	_ =	shalt  }
0x85: {  	_ =	shalt  }
0x86: {  	_ =	shalt  }
0x87: {  	_ =	shalt  }
.Lfunc_end0:
.L_simem_size_0:
called_computation_lowered:
.L_overlay_start_0:
0x88: {  	s2 =	sld [smem:$0x3FD9]  }
0x89: {  	s3 =	sld [smem:$0x3FFE];
	_ =	sdelay $0x1  }
0x8a: {  	s1 =	srdreg.scid  }
0x8b: {  	s0 =	sand.u32 $0x1, s1  }
0x8c: {  	s17 =	sshll.u32 s0, $0xA;
	s2 =	sadd.s32 s3, s2  }
0x8d: {  	s2 =	sadd.s32 s2, s17  }
0x8e: {  	[smem:$0x3FC3] =	sst s2  }
0x8f: {  	_ = 	snop  }
0x90: {  	s2 =	sld [smem:$0x3FD0];
	(tm) =	ssettm $0x1  }
0x91: {  	s18 =	sld [smem:$0x3FFB];
	_ =	sdelay $0x3  }
0x92: {  	_ =	strace s18  }
0x93: {  	s3 =	sld [smem:$0x3FFC];
	_ =	sdelay $0x3  }
0x94: {  	_ =	strace s3  }
0x95: {  	s3 =	sld [smem:$0x3FFD];
	_ =	sdelay $0x3  }
0x96: {  	_ =	strace s3  }
0x97: {  	_ =	strace $0x8FFFFFFF  }
0x98: {  	s19 =	sld [smem:$0x3FDB];
	_ =	sdelay $0x1  }
0x99: {  	s4 =	simm.s32 $_scs_section_size  }
0x9a: {  	s5 =	simm.s32 $_size__tile_overlayer_lowered;
	s6 =	simm.s32 $_tile_overlayer_lowered  }
0x9b: {  	s22 =	simm.s32 $0x1BFF;
	s21 =	sshll.u32 s6, $0x1;
	s3 =	sadd.s32 s4, s19  }
0x9c: {  	s7 =	simm.s32 $0x0;
	s20 =	sshll.u32 s5, $0x1;
	s5 =	sadd.s32 s21, s3  }
0x9d: {  	[timem:s7], [sflag:s22] =	dma.local [hbm:s5], s20  }
0x9e: {  	_ =	swait.ge [sflag:s22], s20  }
0x9f: {  	s4 =	ssub.s32 $0x0, s20;
	[sflag:s22] =	ssyncset.done $0x0  }
0xa0: {  	[sflag:s22] =	ssyncadd.s32 s4;
	_ =	sdelay $0x1  }
0xa1: {  	s23 =	simm.s32 $0x1B8B  }
0xa2: {  	_ =	swait.ge [sflag:s23], $0x1  }
0xa3: {  	[sflag:s23] =	ssyncset.done $0x0  }
0xa4: {  	s25 =	simm.s32 $0x1B8E;
	s24 =	sld [smem:$0x3FFE];
	[sflag:s23] =	ssyncadd.s32 $0xFFFFFFFF  }
0xa5: {  	s26 =	simm.s32 $execute0_lowered;
	[smem:$0x3FD2] =	sst s25  }
0xa6: {  	s5 =	sshll.u32 s26, $0x1;
	_ =	strace $0x80000046;
	[dreg:$0x1] =	wrdreg $0xFFFFFFFF  }
0xa7: {  	s28 =	simm.s32 $_size_execute0_lowered;
	s3 =	sadd.s32 s3, s5;
	[dreg:$0x0] =	wrdreg $0x0  }
0xa8: {  	s5 =	sshll.u32 s28, $0x1;
	[dreg:$0x2] =	wrdreg s3  }
0xa9: {  	[dreg:$0x3] =	wrdreg s5  }
0xaa: {  	[dreg:$0x4] =	wrdreg $0xC0  }
0xab: {  	_ =	task [dreg:s7], $0x5FFFF  }
0xac: {  	[dreg:$0x1] =	wrdreg $0xFFFFFFFF  }
0xad: {  	[dreg:$0x0] =	wrdreg $0x60  }
0xae: {  	[dreg:$0x2] =	wrdreg s24  }
0xaf: {  	[dreg:$0x3] =	wrdreg s2  }
0xb0: {  	[dreg:$0x4] =	wrdreg $0x193100  }
0xb1: {  	[dreg:$0x5] =	wrdreg $0x9  }
0xb2: {  	_ =	task.clear_ibuf [dreg:s7], $0x6FFFF;
	_ =	strace $0x90000046  }
0xb3: {  	s29 =	simm.s32 $0x9;
	_ =	strace $0x80000048  }
0xb4: {  	_ =	swait.ge [sflag:s29], $0x1  }
0xb5: {  	[sflag:s29] =	ssyncadd.s32 $0xFFFFFFFF  }
0xb6: {  	_ =	strace $0x90000048  }
0xb7: {  	_ =	sfence  }
0xb8: {  	s30 =	sld [smem:$0x0];
	_ =	sdelay $0x2  }
0xb9: {  	s31 =	sshll.u32 s1, $0xD;
	s1 =	sshrl.u32 s1, $0x2  }
0xba: {  	s3 =	sand.u32 $0x4000, s31;
	s1 =	sadd.s32 s1, s30  }
0xbb: {  	s0 =	sor.u32 s3, s0;
	s1 =	sshll.u32 s1, $0x11  }
0xbc: {  	s0 =	sor.u32 s1, s0  }
0xbd: {  	s0 =	sadd.s32 $0x8F2B, s0  }
0xbe: {  	[sflag:s0] =	ssyncadd.remote.s32 $0x1  }
0xbf: {  	_ =	sfence.sel $0xFFFF  }
0xc0: {  	[dreg:$0x0] =	wrdreg $0xFFFFFFFF;
	(pc) =	sbr.abs _section_cstart, $3  }
0xc1: {  	[dreg:$0x1] =	wrdreg $0xFFFFFFFF  }
0xc2: {  	_ =	task.clear_ibuf [dreg:s7], $0x2FFFF;
	_ =	strace $0x9FFFFFFF  }
0xc3: {  	(tm) =	ssettm $0x7FFFFFFF  }
tec
execute0_lowered:
.L_overlay_start_1:
0x0: {  	(tag) =	ssettag $0x1  }
0x1: {  	s0 =	rddreg [dreg:$0x0]  }
0x2: {  	s1 =	rddreg [dreg:$0x1]  }
0x3: {  	s2 =	rddreg [dreg:$0x2];
	s3 =	simm.s32 $0x0;
	s24 =	stileid.u32  }
0x4: {  	s4 =	srdreg.scid;
	s14 =	simm.s32 $0x2;
	s16 =	simm.s32 $0x7800  }
0x5: {  	s17 =	simm.s32 $0xC800;
	s18 =	simm.s32 $0x19280;
	s19 =	simm.s32 $0x19000  }
0x6: {  	s20 =	simm.s32 $0x80;
	s21 =	simm.s32 $0x1;
	s22 =	simm.s32 $0x17C00  }
0x7: {  	[smem:$0x7FF] =	sst s3;
	s5 =	smul.u32 $0xA00, s24;
	s15 =	sand.u32 $0x1, s4  }
0x8: {  	s4 =	sadd.s32 $0x1600, s0;
	s23 =	smul.u32 $0x280, s24;
	s12 =	sadd.s32 $0x2580, s1  }
0x9: {  	_ =	strace $0x80000047;
	s6 =	ssub.s32 $0x2, s15;
	p1 =	sne.s32 s15, $0x0  }
0xa: {  	s8 =	sadd.s32 s5, s0;
	s7 =	sshrl.u32 s6, $0x1;
	s5 =	sadd.s32 $0x1400, s0;
	v2 =	vmov s23  }
0xb: {  	s9 =	sadd.s32 s23, s2;
	s11 =	sadd.s32 s1, s23;
	p2 =	seq.s32 @!p1 s24, $0xF  }
0xc: {  	s23 =	simm.s32 $0x0;
	s31 =	ssub.s32 s6, s7;
	s6 =	sadd.s32 $0x1C00, s8  }
0xd: {  	v1 =	vlaneseq.u32;
	s7 =	sadd.s32 $0xBC00, s8;
	s8 =	sadd.s32 $0x15C00, s8;
	s10 =	sadd.s32 $0x2800, s9  }
0xe: {  	v0 =	vimm.f32 $0.0e+00;
	v1 =	vmul.u32 $0x8, v1;
	p0 =	por !p2, p1;
	p1 =	por p2, p1;
	s13 =	smax.u32 s31, $0x1  }
.LBB2_1:
0xf: {  	[tilespmem:s3], [sflag:$0x2] =	stream.linear.gather [hbm4b:s4+s3], $0x2800, $0x38;
	[tilespmem:$0x19810] =	vst v63  }
0x10: {  	_ =	swait.ge [sflag:s14], $0x2800  }
0x11: {  	[sflag:s14] =	ssyncset.done $0x0  }
0x12: {  	s0 =	simm.s32 $0x2800;
	[sflag:s14] =	ssyncadd.s32 $0xFFFFD800  }
0x13: {  	[tilespmem:s0], [sflag:$0x2] =	stream.linear.gather [hbm4b:s6+s3], $0x5000, $0x38;
	[tilespmem:$0x19810] =	vst v63  }
0x14: {  	_ =	swait.ge [sflag:s14], $0x5000  }
0x15: {  	[sflag:s14] =	ssyncset.done $0x0  }
0x16: {  	[sflag:s14] =	ssyncadd.s32 $0xFFFFB000  }
0x17: {  	[tilespmem:s16], [sflag:$0x2] =	stream.linear.gather [hbm4b:s7+s3], $0x5000, $0x38;
	[tilespmem:$0x19810] =	vst v63  }
0x18: {  	_ =	swait.ge [sflag:s14], $0x5000  }
0x19: {  	[sflag:s14] =	ssyncset.done $0x0  }
0x1a: {  	[sflag:s14] =	ssyncadd.s32 $0xFFFFB000  }
0x1b: {  	[tilespmem:s17], [sflag:$0x2] =	stream.linear.gather [hbm4b:s8+s3], $0x5000, $0x38;
	[tilespmem:$0x19810] =	vst v63  }
0x1c: {  	_ =	swait.ge [sflag:s14], $0x5000  }
0x1d: {  	[sflag:s14] =	ssyncset.done $0x0  }
0x1e: {  	[sflag:s14] =	ssyncadd.s32 $0xFFFFB000  }
0x1f: {  	[tilespmem:s18], [sflag:$0x2] =	stream.linear.gather [hbm4b:s5+s3], $0x90, $0x38;
	[tilespmem:$0x19810] =	vst v63  }
0x20: {  	_ =	swait.ge [sflag:s14], $0x90  }
0x21: {  	[sflag:s14] =	ssyncset.done $0x0  }
0x22: {  	[sflag:s14] =	ssyncadd.s32 $0xFFFFFF70  }
0x23: {  	[tilespmem:$0x19000] =	vst v0  }
0x24: {  	[tilespmem:$0x19010] =	vst v0  }
0x25: {  	[tilespmem:$0x19020] =	vst v0  }
0x26: {  	[tilespmem:$0x19030] =	vst v0  }
0x27: {  	[tilespmem:$0x19040] =	vst v0  }
0x28: {  	[tilespmem:$0x19050] =	vst v0  }
0x29: {  	[tilespmem:$0x19060] =	vst v0  }
0x2a: {  	[tilespmem:$0x19070] =	vst v0  }
0x2b: {  	[tilespmem:$0x19080] =	vst v0  }
0x2c: {  	[tilespmem:$0x19090] =	vst v0  }
0x2d: {  	[tilespmem:$0x190A0] =	vst v0  }
0x2e: {  	[tilespmem:$0x190B0] =	vst v0  }
0x2f: {  	[tilespmem:$0x190C0] =	vst v0  }
0x30: {  	[tilespmem:$0x190D0] =	vst v0  }
0x31: {  	[tilespmem:$0x190E0] =	vst v0  }
0x32: {  	[tilespmem:$0x190F0] =	vst v0  }
0x33: {  	[tilespmem:$0x19100] =	vst v0  }
0x34: {  	[tilespmem:$0x19110] =	vst v0  }
0x35: {  	[tilespmem:$0x19120] =	vst v0  }
0x36: {  	[tilespmem:$0x19130] =	vst v0  }
0x37: {  	[tilespmem:$0x19140] =	vst v0  }
0x38: {  	[tilespmem:$0x19150] =	vst v0  }
0x39: {  	[tilespmem:$0x19160] =	vst v0  }
0x3a: {  	[tilespmem:$0x19170] =	vst v0  }
0x3b: {  	[tilespmem:$0x19180] =	vst v0  }
0x3c: {  	[tilespmem:$0x19190] =	vst v0  }
0x3d: {  	[tilespmem:$0x191A0] =	vst v0  }
0x3e: {  	[tilespmem:$0x191B0] =	vst v0  }
0x3f: {  	[tilespmem:$0x191C0] =	vst v0  }
0x40: {  	[tilespmem:$0x191D0] =	vst v0  }
0x41: {  	[tilespmem:$0x191E0] =	vst v0  }
0x42: {  	[tilespmem:$0x191F0] =	vst v0  }
0x43: {  	[tilespmem:$0x19200] =	vst v0  }
0x44: {  	[tilespmem:$0x19210] =	vst v0  }
0x45: {  	[tilespmem:$0x19220] =	vst v0  }
0x46: {  	[tilespmem:$0x19230] =	vst v0  }
0x47: {  	[tilespmem:$0x19240] =	vst v0  }
0x48: {  	[tilespmem:$0x19250] =	vst v0  }
0x49: {  	[tilespmem:$0x19260] =	vst v0  }
0x4a: {  	s1 =	simm.s32 $0x0;
	s0 =	simm.s32 $0x40;
	[tilespmem:$0x19270] =	vst v0  }
.LBB2_2:
0x4b: {  	p2 =	sne.s32 s0, $0x4FC0;
	[tilespmem:s1+$0x16800] =	vst v0;
	s1 =	smov.u32 s0;
	s0 =	sadd.s32 $0x40, s0  }
.Ltmp0:
0x4c: {  	(pc) =	sbr.rel @p2 .LBB2_2-.Ltmp0, $2  }
0x4d: {  	_ =	sdelay $0x2  }
0x4e: {  	s1 =	sshra.s32 s1, $0x2  }
0x4f: {  	[tilespmem:s1+$0x16800] =	vst v0  }
0x50: {  	[spmem:s9] =	stream.linear.scatter [tilespmem:s19], [sflag:$0x2], $0x280, $0x38;
	[tilespmem:$0x19810] =	vst v63  }
0x51: {  	_ =	swait.ge [sflag:s14], $0x280  }
0x52: {  	[sflag:s14] =	ssyncset.done $0x0  }
0x53: {  	[sflag:s14] =	ssyncadd.s32 $0xFFFFFD80  }
0x54: {  	[spmem:s10] =	stream.linear.scatter [tilespmem:s19], [sflag:$0x2], $0x280, $0x38;
	[tilespmem:$0x19810] =	vst v63  }
.Ltmp1:
0x55: {  	_ =	swait.ge [sflag:s14], $0x280;
	(pc) =	sbr.rel .LBB2_4-.Ltmp1, $4  }
0x56: {  	[sflag:s14] =	ssyncset.done $0x0  }
0x57: {  	[sflag:s14] =	ssyncadd.s32 $0xFFFFFD80  }
0x58: {  	[bflag:$0x0] =	sbarrier.arrive $0xFFFF  }
0x59: {  	s24 =	simm.s32 $0x0;
	p2 =	por $0x1, $0x1  }
.LBB2_14:
0x5a: {  	s0 =	sxor.u32 $0x1, s25  }
0x5b: {  	s0 =	smul.u32 $0xA000, s0;
	_ =	sdelay $0x1  }
0x5c: {  	s24 =	sadd.s32 $0x1, s24;
	s0 =	sshrl.u32 s0, $0x2  }
0x5d: {  	p3 =	sne.s32 s24, $0x11;
	s0 =	sadd.s32 s0, s9  }
0x5e: {  	[spmem:s0] =	stream.linear.scatter [tilespmem:s19], [sflag:$0x2], $0x280, $0x38;
	[tilespmem:$0x19810] =	vst v63  }
.Ltmp2:
0x5f: {  	_ =	swait.ge [sflag:s14], $0x280;
	(pc) =	sbr.rel @!p3 .LBB2_15-.Ltmp2, $4  }
0x60: {  	[sflag:s14] =	ssyncset.done $0x0  }
0x61: {  	[sflag:s14] =	ssyncadd.s32 $0xFFFFFD80  }
0x62: {  	[bflag:$0x0] =	sbarrier.arrive $0xFFFF  }
0x63: {  	p2 =	por !p2, !p2  }
.LBB2_4:
0x64: {  	s0 =	simm.s32 $0x0  }
0x65: {  	v3 =	vld [tilespmem:s0+$0x2800];
	_ =	sdelay $0x5  }
0x66: {  	v4 =	vld [tilespmem:s0+$0x2810]  }
0x67: {  	v5 =	vld [tilespmem:s0+$0xC800]  }
0x68: {  	v3 =	vld.idx.msk [tilespmem:v3+s3+$0x0], $0xffff;
	_ =	sdelay $0x4  }
0x69: {  	v3 =	vmul.f32 v5, v3  }
0x6a: {  	v54 =	vld [tilespmem:s0+$0xC810]  }
0x6b: {  	[tilespmem:s0+$0x11800] =	vst v3;
	v3 =	vld [tilespmem:s0+$0x2820]  }
0x6c: {  	v4 =	vld.idx.msk [tilespmem:v4+s3+$0x0], $0xffff;
	_ =	sdelay $0x4  }
0x6d: {  	v4 =	vmul.f32 v54, v4  }
0x6e: {  	v55 =	vld [tilespmem:s0+$0x2830]  }
0x6f: {  	v56 =	vld [tilespmem:s0+$0xC820];
	[tilespmem:s0+$0x11810] =	vst v4  }
0x70: {  	v3 =	vld.idx.msk [tilespmem:v3+s3+$0x0], $0xffff;
	_ =	sdelay $0x4  }
0x71: {  	v3 =	vmul.f32 v56, v3  }
0x72: {  	v57 =	vld [tilespmem:s0+$0xC830]  }
0x73: {  	[tilespmem:s0+$0x11820] =	vst v3;
	v3 =	vld [tilespmem:s0+$0x2840]  }
0x74: {  	v4 =	vld.idx.msk [tilespmem:v55+s3+$0x0], $0xffff;
	_ =	sdelay $0x4  }
0x75: {  	v4 =	vmul.f32 v57, v4  }
0x76: {  	v58 =	vld [tilespmem:s0+$0x2850]  }
0x77: {  	v59 =	vld [tilespmem:s0+$0xC840];
	[tilespmem:s0+$0x11830] =	vst v4  }
0x78: {  	v3 =	vld.idx.msk [tilespmem:v3+s3+$0x0], $0xffff;
	_ =	sdelay $0x4  }
0x79: {  	v3 =	vmul.f32 v59, v3  }
0x7a: {  	v60 =	vld [tilespmem:s0+$0xC850]  }
0x7b: {  	[tilespmem:s0+$0x11840] =	vst v3;
	v3 =	vld [tilespmem:s0+$0x2860]  }
0x7c: {  	v4 =	vld.idx.msk [tilespmem:v58+s3+$0x0], $0xffff;
	_ =	sdelay $0x4  }
0x7d: {  	v4 =	vmul.f32 v60, v4  }
0x7e: {  	v61 =	vld [tilespmem:s0+$0x2870]  }
0x7f: {  	v62 =	vld [tilespmem:s0+$0xC860];
	[tilespmem:s0+$0x11850] =	vst v4  }
0x80: {  	v3 =	vld.idx.msk [tilespmem:v3+s3+$0x0], $0xffff;
	_ =	sdelay $0x4  }
0x81: {  	v3 =	vmul.f32 v62, v3;
	_ =	sdelay $0x1  }
0x82: {  	v63 =	vld [tilespmem:s0+$0xC870];
	[tilespmem:s0+$0x11860] =	vst v3  }
0x83: {  	v3 =	vld.idx.msk [tilespmem:v61+s3+$0x0], $0xffff;
	_ =	sdelay $0x1  }
0x84: {  	s1 =	sshrl.u32 s24, $0x1;
	s25 =	sand.u32 $0x1, s24  }
0x85: {  	s26 =	smin.u32 s1, $0x7;
	s15 =	smul.u32 $0xA000, s25  }
0x86: {  	s1 =	smul.u32 $0xA00, s26  }
0x87: {  	s30 =	simm.s32 $0x80;
	s15 =	sshrl.u32 s15, $0x2;
	v3 =	vmul.f32 v63, v3  }
0x88: {  	s31 =	simm.s32 $0x400;
	s1 =	sshrl.u32 s1, $0x2;
	s29 =	sadd.s32 s15, s2  }
0x89: {  	s15 =	simm.s32 $0x7800;
	s28 =	sadd.s32 $0x16800, s1;
	s1 =	simm.s32 $0x11800;
	[tilespmem:s0+$0x11870] =	vst v3  }
.LBB2_5:
0x8a: {  	[spmem:s29] =	stream.indirect.scatter.add.f32 [tilespmem:s1], [sflag:$0x1], $0x1, s15, s20, $0xb8;
	[tilespmem:$0x19810] =	vst v63  }
0x8b: {  	s0 =	sshra.s32 s31, $0x2;
	p3 =	sne.s32 s31, $0x13E00;
	s31 =	sadd.s32 $0x200, s31;
	v3 =	vld [tilespmem:s30+$0x2800]  }
0x8c: {  	_ =	sdelay $0x5  }
0x8d: {  	v4 =	vld [tilespmem:s30+$0x2810]  }
0x8e: {  	v3 =	vld.idx.msk [tilespmem:v3+s3+$0x0], $0xffff  }
0x8f: {  	v5 =	vld [tilespmem:s30+$0xC800];
	_ =	sdelay $0x4  }
0x90: {  	v3 =	vmul.f32 v5, v3;
	_ =	sdelay $0x1  }
0x91: {  	[tilespmem:s30+$0x11800] =	vst v3;
	v3 =	vld [tilespmem:s30+$0x2820]  }
0x92: {  	v4 =	vld.idx.msk [tilespmem:v4+s3+$0x0], $0xffff  }
0x93: {  	v5 =	vld [tilespmem:s30+$0xC810];
	_ =	sdelay $0x4  }
0x94: {  	v4 =	vmul.f32 v5, v4;
	_ =	sdelay $0x1  }
0x95: {  	[tilespmem:s30+$0x11810] =	vst v4;
	v4 =	vld [tilespmem:s30+$0x2830]  }
0x96: {  	v3 =	vld.idx.msk [tilespmem:v3+s3+$0x0], $0xffff  }
0x97: {  	v5 =	vld [tilespmem:s30+$0xC820];
	_ =	sdelay $0x4  }
0x98: {  	v3 =	vmul.f32 v5, v3;
	_ =	sdelay $0x1  }
0x99: {  	[tilespmem:s30+$0x11820] =	vst v3;
	v3 =	vld [tilespmem:s30+$0x2840]  }
0x9a: {  	v4 =	vld.idx.msk [tilespmem:v4+s3+$0x0], $0xffff  }
0x9b: {  	v5 =	vld [tilespmem:s30+$0xC830];
	_ =	sdelay $0x4  }
0x9c: {  	v4 =	vmul.f32 v5, v4;
	_ =	sdelay $0x1  }
0x9d: {  	[tilespmem:s30+$0x11830] =	vst v4;
	v4 =	vld [tilespmem:s30+$0x2850]  }
0x9e: {  	v3 =	vld.idx.msk [tilespmem:v3+s3+$0x0], $0xffff  }
0x9f: {  	v5 =	vld [tilespmem:s30+$0xC840];
	_ =	sdelay $0x4  }
0xa0: {  	v3 =	vmul.f32 v5, v3;
	_ =	sdelay $0x1  }
0xa1: {  	[tilespmem:s30+$0x11840] =	vst v3;
	v3 =	vld [tilespmem:s30+$0x2860]  }
0xa2: {  	v4 =	vld.idx.msk [tilespmem:v4+s3+$0x0], $0xffff  }
0xa3: {  	v5 =	vld [tilespmem:s30+$0xC850];
	_ =	sdelay $0x4  }
0xa4: {  	v4 =	vmul.f32 v5, v4;
	_ =	sdelay $0x1  }
0xa5: {  	[tilespmem:s30+$0x11850] =	vst v4;
	v4 =	vld [tilespmem:s30+$0x2870]  }
0xa6: {  	v3 =	vld.idx.msk [tilespmem:v3+s3+$0x0], $0xffff  }
0xa7: {  	v5 =	vld [tilespmem:s30+$0xC860];
	_ =	sdelay $0x4  }
0xa8: {  	v3 =	vmul.f32 v5, v3;
	_ =	sdelay $0x1  }
0xa9: {  	[tilespmem:s30+$0x11860] =	vst v3  }
0xaa: {  	v3 =	vld.idx.msk [tilespmem:v4+s3+$0x0], $0xffff  }
0xab: {  	v4 =	vld [tilespmem:s30+$0xC870];
	_ =	sdelay $0x2  }
.Ltmp3:
0xac: {  	(pc) =	sbr.rel @p3 .LBB2_5-.Ltmp3, $3  }
0xad: {  	_ = 	snop  }
0xae: {  	v3 =	vmul.f32 v4, v3;
	_ =	sdelay $0x1  }
0xaf: {  	s1 =	sadd.s32 $0x11800, s30;
	s15 =	sadd.s32 $0x7800, s30;
	[tilespmem:s30+$0x11870] =	vst v3;
	s30 =	smov.u32 s0  }
0xb0: {  	[spmem:s29] =	stream.indirect.scatter.add.f32 [tilespmem:s1], [sflag:$0x1], $0x1, s15, s20, $0xb8;
	[tilespmem:$0x19810] =	vst v63  }
0xb1: {  	v3 =	vld [tilespmem:s30+$0x2800];
	_ =	sdelay $0x5  }
0xb2: {  	v4 =	vld [tilespmem:s30+$0x2810]  }
0xb3: {  	v5 =	vld [tilespmem:s30+$0xC800]  }
0xb4: {  	v3 =	vld.idx.msk [tilespmem:v3+s3+$0x0], $0xffff;
	_ =	sdelay $0x4  }
0xb5: {  	v3 =	vmul.f32 v5, v3  }
0xb6: {  	v51 =	vld [tilespmem:s30+$0xC810]  }
0xb7: {  	v52 =	vld [tilespmem:s30+$0x2820];
	[tilespmem:s30+$0x11800] =	vst v3  }
0xb8: {  	v3 =	vld.idx.msk [tilespmem:v4+s3+$0x0], $0xffff;
	_ =	sdelay $0x4  }
0xb9: {  	v3 =	vmul.f32 v51, v3  }
0xba: {  	v54 =	vld [tilespmem:s30+$0xC820]  }
0xbb: {  	[tilespmem:s30+$0x11810] =	vst v3;
	v3 =	vld [tilespmem:s30+$0x2830]  }
0xbc: {  	v53 =	vld.idx.msk [tilespmem:v52+s3+$0x0], $0xffff;
	_ =	sdelay $0x4  }
0xbd: {  	v4 =	vmul.f32 v54, v53  }
0xbe: {  	v55 =	vld [tilespmem:s30+$0xC830]  }
0xbf: {  	v56 =	vld [tilespmem:s30+$0x2840];
	[tilespmem:s30+$0x11820] =	vst v4  }
0xc0: {  	v3 =	vld.idx.msk [tilespmem:v3+s3+$0x0], $0xffff;
	_ =	sdelay $0x4  }
0xc1: {  	v3 =	vmul.f32 v55, v3  }
0xc2: {  	v58 =	vld [tilespmem:s30+$0xC840]  }
0xc3: {  	[tilespmem:s30+$0x11830] =	vst v3;
	v3 =	vld [tilespmem:s30+$0x2850]  }
0xc4: {  	v57 =	vld.idx.msk [tilespmem:v56+s3+$0x0], $0xffff;
	_ =	sdelay $0x4  }
0xc5: {  	v4 =	vmul.f32 v58, v57  }
0xc6: {  	v59 =	vld [tilespmem:s30+$0xC850]  }
0xc7: {  	v60 =	vld [tilespmem:s30+$0x2860];
	[tilespmem:s30+$0x11840] =	vst v4  }
0xc8: {  	v3 =	vld.idx.msk [tilespmem:v3+s3+$0x0], $0xffff;
	_ =	sdelay $0x4  }
0xc9: {  	v3 =	vmul.f32 v59, v3  }
0xca: {  	v62 =	vld [tilespmem:s30+$0xC860]  }
0xcb: {  	[tilespmem:s30+$0x11850] =	vst v3;
	v3 =	vld [tilespmem:s30+$0x2870]  }
0xcc: {  	v61 =	vld.idx.msk [tilespmem:v60+s3+$0x0], $0xffff;
	_ =	sdelay $0x4  }
0xcd: {  	v4 =	vmul.f32 v62, v61;
	_ =	sdelay $0x1  }
0xce: {  	v63 =	vld [tilespmem:s30+$0xC870];
	[tilespmem:s30+$0x11860] =	vst v4  }
0xcf: {  	v3 =	vld.idx.msk [tilespmem:v3+s3+$0x0], $0xffff;
	_ =	sdelay $0x4  }
0xd0: {  	v3 =	vmul.f32 v63, v3;
	_ =	sdelay $0x1  }
0xd1: {  	s0 =	sadd.s32 $0x11800, s30;
	s31 =	sadd.s32 $0x7800, s30;
	[tilespmem:s30+$0x11870] =	vst v3  }
0xd2: {  	[spmem:s29] =	stream.indirect.scatter.add.f32 [tilespmem:s0], [sflag:$0x1], $0x1, s31, s20, $0xb8;
	[tilespmem:$0x19810] =	vst v63  }
0xd3: {  	_ =	swait.ge [sflag:s21], $0x80  }
0xd4: {  	s0 =	simm.s32 $0x9F;
	[sflag:s21] =	ssyncset.done $0x0  }
.LBB2_7:
0xd5: {  	p3 =	sne.s32 s0, $0x1;
	s0 =	sadd.s32 $0xFFFFFFFF, s0;
	[sflag:s21] =	ssyncadd.s32 $0xFFFFFF80  }
.Ltmp4:
0xd6: {  	(pc) =	sbr.rel @p3 .LBB2_7-.Ltmp4, $3  }
0xd7: {  	_ =	sdelay $0x1  }
0xd8: {  	_ =	swait.ge [sflag:s21], $0x80  }
0xd9: {  	[sflag:s21] =	ssyncset.done $0x0  }
0xda: {  	[sflag:s21] =	ssyncadd.s32 $0xFFFFFF80  }
0xdb: {  	s0 =	simm.s32 $0x0;
	[bflag:$0x0] =	sbarrier.arrive $0xFFFF  }
0xdc: {  	[tilespmem:s0], [sflag:$0x2] =	stream.linear.gather [spmem:s29], $0x2800, $0x38;
	[tilespmem:$0x19810] =	vst v63  }
0xdd: {  	s0 =	sadd.s32 $0xFFFFFFFF, s24  }
0xde: {  	s1 =	sand.u32 $0x1, s0  }
0xdf: {  	p3 =	slt.u32 s24, $0x2;
	p4 =	seq.s32 s1, $0x1  }
0xe0: {  	s15 =	sshrl.u32 s0, $0x1F;
	p4 =	por !p3, !p4  }
0xe1: {  	s0 =	sadd.s32 s15, s0;
	s1 =	simm.s32 $0x1;
	p4 =	por !p4, !p4  }
0xe2: {  	s15 =	sshra.s32 s0, $0x1;
	p3 =	por !p3, !p2;
	s1 =	simm.s32 @!p4 $0x0  }
0xe3: {  	p3 =	por !p3, !p3;
	s0 =	ssub.s32 s15, s1;
	s1 =	simm.s32 $0x1  }
0xe4: {  	p4 =	sgt.s32 s0, $0x0;
	s1 =	simm.s32 @!p3 $0x0  }
0xe5: {  	s29 =	sshll.u32 s24, $0x3;
	s0 =	simm.s32 @!p4 $0x0;
	s1 =	ssub.s32 s15, s1  }
0xe6: {  	s15 =	sadd.s32 s29, s0;
	p3 =	sgt.s32 s1, $0x0  }
0xe7: {  	v3 =	vmov s15;
	s1 =	simm.s32 @!p3 $0x0  }
0xe8: {  	s1 =	smul.u32 $0xA00, s1  }
0xe9: {  	_ =	swait.ge [sflag:s14], $0x2800  }
0xea: {  	[sflag:s14] =	ssyncset.done $0x0;
	s1 =	sshra.s32 s1, $0x2  }
0xeb: {  	[sflag:s14] =	ssyncadd.s32 $0xFFFFD800;
	s1 =	sadd.s32 $0x16800, s1  }
0xec: {  	v4 =	vld.idx.msk [tilespmem:v3+s18+$0x0], $0xffff;
	v3 =	vmov s1;
	_ =	sdelay $0x1  }
0xed: {  	s30 =	simm.s32 $0x0;
	s31 =	simm.s32 $0x40  }
.LBB2_9:
0xee: {  	p3 =	sne.s32 s31, $0x9C0;
	v5 =	vld.idx.msk [tilespmem:v2+s30+$0x0 ss:$0x1], $0xffff;
	_ =	sdelay $0x1  }
0xef: {  	v6 =	vld.idx.msk [tilespmem:v3+s30+$0x0 ss:$0x1], $0xffff;
	_ =	sdelay $0x3  }
.Ltmp5:
0xf0: {  	v5 =	vmul.f32 v5, v4;
	(pc) =	sbr.rel @p3 .LBB2_9-.Ltmp5, $3  }
0xf1: {  	_ = 	snop  }
0xf2: {  	v5 =	vadd.f32 v5, v6;
	_ =	sdelay $0x1  }
0xf3: {  	[tilespmem:v3+s30+$0x0 ss:$0x1] =	vst.idx.msk $0xffff, v5;
	s30 =	sshra.s32 s31, $0x2;
	s31 =	sadd.s32 $0x40, s31  }
0xf4: {  	_ =	sdelay $0x3  }
0xf5: {  	v5 =	vld.idx.msk [tilespmem:v2+s30+$0x0 ss:$0x1], $0xffff;
	_ =	sdelay $0x1  }
0xf6: {  	v6 =	vld.idx.msk [tilespmem:v3+s30+$0x0 ss:$0x1], $0xffff;
	_ =	sdelay $0x1  }
0xf7: {  	p3 =	seq.s32 s26, s0  }
.Ltmp6:
0xf8: {  	v4 =	vmul.f32 v5, v4;
	(pc) =	sbr.rel @p3 .LBB2_14-.Ltmp6, $3  }
0xf9: {  	_ = 	snop  }
0xfa: {  	v4 =	vadd.f32 v4, v6;
	_ =	sdelay $0x1  }
0xfb: {  	[tilespmem:v3+s30+$0x0 ss:$0x1] =	vst.idx.msk $0xffff, v4  }
0xfc: {  	s0 =	sor.u32 s29, s26  }
0xfd: {  	v3 =	vmov s0;
	_ =	sdelay $0x4  }
0xfe: {  	v4 =	vld.idx.msk [tilespmem:v3+s18+$0x0], $0xffff;
	v3 =	vmov s28;
	_ =	sdelay $0x1  }
0xff: {  	s26 =	simm.s32 $0x40;
	s0 =	simm.s32 $0x0  }
.LBB2_12:
0x100: {  	p3 =	sne.s32 s26, $0x9C0;
	v5 =	vld.idx.msk [tilespmem:v2+s0+$0x0 ss:$0x1], $0xffff;
	_ =	sdelay $0x1  }
0x101: {  	v6 =	vld.idx.msk [tilespmem:v3+s0+$0x0 ss:$0x1], $0xffff;
	_ =	sdelay $0x3  }
.Ltmp7:
0x102: {  	v5 =	vmul.f32 v5, v4;
	(pc) =	sbr.rel @p3 .LBB2_12-.Ltmp7, $3  }
0x103: {  	_ = 	snop  }
0x104: {  	v5 =	vadd.f32 v5, v6;
	_ =	sdelay $0x1  }
0x105: {  	[tilespmem:v3+s0+$0x0 ss:$0x1] =	vst.idx.msk $0xffff, v5;
	s0 =	sshra.s32 s26, $0x2;
	s26 =	sadd.s32 $0x40, s26  }
0x106: {  	_ =	sdelay $0x3  }
0x107: {  	v5 =	vld.idx.msk [tilespmem:v2+s0+$0x0 ss:$0x1], $0xffff;
	_ =	sdelay $0x1  }
0x108: {  	v6 =	vld.idx.msk [tilespmem:v3+s0+$0x0 ss:$0x1], $0xffff;
	_ =	sdelay $0x2  }
.Ltmp8:
0x109: {  	v4 =	vmul.f32 v5, v4;
	(pc) =	sbr.rel .LBB2_14-.Ltmp8, $3  }
0x10a: {  	_ = 	snop  }
0x10b: {  	v4 =	vadd.f32 v4, v6;
	_ =	sdelay $0x1  }
0x10c: {  	[tilespmem:v3+s0+$0x0 ss:$0x1] =	vst.idx.msk $0xffff, v4  }
.LBB2_15:
0x10d: {  	s0 =	simm.s32 $0x0  }
0x10e: {  	v3 =	vmov s0  }
0x10f: {  	s0 =	simm.s32 $0x16800;
	v3 =	vshll.u32 v3, $0x3  }
0x110: {  	s24 =	simm.s32 $0x10;
	v4 =	vld [tilespmem:s0+$0x0];
	v5 =	vor.u32 v1, v3  }
.LBB2_16:
0x111: {  	p2 =	sne.s32 s24, $0x270  }
.Ltmp9:
0x112: {  	_ = 	snop;
	(pc) =	sbr.rel @p2 .LBB2_16-.Ltmp9, $4  }
0x113: {  	_ = 	snop  }
0x114: {  	v6 =	vmov s24;
	s24 =	sadd.s32 $0x10, s24  }
0x115: {  	s0 =	sadd.s32 $0x10, s0;
	v6 =	vshll.u32 v6, $0x3;
	[tilespmem:v5+s22+$0x0] =	vst.idx.msk $0xffff, v4  }
0x116: {  	v5 =	vor.u32 v1, v6;
	v4 =	vld [tilespmem:s0+$0x0]  }
0x117: {  	_ =	sdelay $0x3  }
0x118: {  	s0 =	simm.s32 $0x16A80;
	[tilespmem:v5+s22+$0x0] =	vst.idx.msk $0xffff, v4;
	v4 =	vor.u32 v1, v3  }
0x119: {  	s24 =	simm.s32 $0x10;
	v3 =	vld [tilespmem:s0+$0x0];
	v4 =	vor.u32 $0x1, v4  }
.LBB2_18:
0x11a: {  	p2 =	sne.s32 s24, $0x270  }
.Ltmp10:
0x11b: {  	_ = 	snop;
	(pc) =	sbr.rel @p2 .LBB2_18-.Ltmp10, $4  }
0x11c: {  	v5 =	vmov s24  }
0x11d: {  	v5 =	vshll.u32 v5, $0x3  }
0x11e: {  	s0 =	sadd.s32 $0x10, s0;
	v5 =	vor.u32 v1, v5;
	[tilespmem:v4+s22+$0x0] =	vst.idx.msk $0xffff, v3  }
0x11f: {  	s24 =	sadd.s32 $0x10, s24;
	v4 =	vor.u32 $0x1, v5;
	v3 =	vld [tilespmem:s0+$0x0]  }
0x120: {  	_ = 	snop  }
0x121: {  	s0 =	simm.s32 $0x0  }
0x122: {  	v5 =	vmov s0  }
0x123: {  	v5 =	vshll.u32 v5, $0x3  }
0x124: {  	s0 =	simm.s32 $0x16D00;
	[tilespmem:v4+s22+$0x0] =	vst.idx.msk $0xffff, v3;
	v3 =	vor.u32 v1, v5  }
0x125: {  	s24 =	simm.s32 $0x10;
	v4 =	vld [tilespmem:s0+$0x0];
	v5 =	vor.u32 $0x2, v3  }
.LBB2_20:
0x126: {  	p2 =	sne.s32 s24, $0x270  }
.Ltmp11:
0x127: {  	_ = 	snop;
	(pc) =	sbr.rel @p2 .LBB2_20-.Ltmp11, $4  }
0x128: {  	v6 =	vmov s24  }
0x129: {  	v6 =	vshll.u32 v6, $0x3  }
0x12a: {  	s0 =	sadd.s32 $0x10, s0;
	v6 =	vor.u32 v1, v6;
	[tilespmem:v5+s22+$0x0] =	vst.idx.msk $0xffff, v4  }
0x12b: {  	s24 =	sadd.s32 $0x10, s24;
	v5 =	vor.u32 $0x2, v6;
	v4 =	vld [tilespmem:s0+$0x0]  }
0x12c: {  	_ =	sdelay $0x3  }
0x12d: {  	s0 =	simm.s32 $0x16F80;
	[tilespmem:v5+s22+$0x0] =	vst.idx.msk $0xffff, v4  }
0x12e: {  	s24 =	simm.s32 $0x10;
	v3 =	vor.u32 $0x3, v3;
	v4 =	vld [tilespmem:s0+$0x0]  }
.LBB2_22:
0x12f: {  	p2 =	sne.s32 s24, $0x270  }
.Ltmp12:
0x130: {  	_ = 	snop;
	(pc) =	sbr.rel @p2 .LBB2_22-.Ltmp12, $4  }
0x131: {  	v5 =	vmov s24  }
0x132: {  	v5 =	vshll.u32 v5, $0x3  }
0x133: {  	s0 =	sadd.s32 $0x10, s0;
	v5 =	vor.u32 v1, v5;
	[tilespmem:v3+s22+$0x0] =	vst.idx.msk $0xffff, v4  }
0x134: {  	s24 =	sadd.s32 $0x10, s24;
	v3 =	vor.u32 $0x3, v5;
	v4 =	vld [tilespmem:s0+$0x0]  }
0x135: {  	_ = 	snop  }
0x136: {  	s0 =	simm.s32 $0x0  }
0x137: {  	v5 =	vmov s0  }
0x138: {  	v5 =	vshll.u32 v5, $0x3  }
0x139: {  	s0 =	simm.s32 $0x17200;
	[tilespmem:v3+s22+$0x0] =	vst.idx.msk $0xffff, v4;
	v3 =	vor.u32 v1, v5  }
0x13a: {  	s24 =	simm.s32 $0x10;
	v4 =	vld [tilespmem:s0+$0x0];
	v5 =	vor.u32 $0x4, v3  }
.LBB2_24:
0x13b: {  	p2 =	sne.s32 s24, $0x270  }
.Ltmp13:
0x13c: {  	_ = 	snop;
	(pc) =	sbr.rel @p2 .LBB2_24-.Ltmp13, $4  }
0x13d: {  	v6 =	vmov s24  }
0x13e: {  	v6 =	vshll.u32 v6, $0x3  }
0x13f: {  	s0 =	sadd.s32 $0x10, s0;
	v6 =	vor.u32 v1, v6;
	[tilespmem:v5+s22+$0x0] =	vst.idx.msk $0xffff, v4  }
0x140: {  	s24 =	sadd.s32 $0x10, s24;
	v5 =	vor.u32 $0x4, v6;
	v4 =	vld [tilespmem:s0+$0x0]  }
0x141: {  	_ =	sdelay $0x3  }
0x142: {  	s0 =	simm.s32 $0x17480;
	[tilespmem:v5+s22+$0x0] =	vst.idx.msk $0xffff, v4  }
0x143: {  	s24 =	simm.s32 $0x10;
	v3 =	vor.u32 $0x5, v3;
	v4 =	vld [tilespmem:s0+$0x0]  }
.LBB2_26:
0x144: {  	p2 =	sne.s32 s24, $0x270  }
.Ltmp14:
0x145: {  	_ = 	snop;
	(pc) =	sbr.rel @p2 .LBB2_26-.Ltmp14, $4  }
0x146: {  	v5 =	vmov s24  }
0x147: {  	v5 =	vshll.u32 v5, $0x3  }
0x148: {  	s0 =	sadd.s32 $0x10, s0;
	v5 =	vor.u32 v1, v5;
	[tilespmem:v3+s22+$0x0] =	vst.idx.msk $0xffff, v4  }
0x149: {  	s24 =	sadd.s32 $0x10, s24;
	v3 =	vor.u32 $0x5, v5;
	v4 =	vld [tilespmem:s0+$0x0]  }
0x14a: {  	_ = 	snop  }
0x14b: {  	s0 =	simm.s32 $0x0  }
0x14c: {  	v5 =	vmov s0  }
0x14d: {  	v5 =	vshll.u32 v5, $0x3  }
0x14e: {  	s0 =	simm.s32 $0x17700;
	[tilespmem:v3+s22+$0x0] =	vst.idx.msk $0xffff, v4;
	v3 =	vor.u32 v1, v5  }
0x14f: {  	s24 =	simm.s32 $0x10;
	v4 =	vld [tilespmem:s0+$0x0];
	v5 =	vor.u32 $0x6, v3  }
.LBB2_28:
0x150: {  	p2 =	sne.s32 s24, $0x270  }
.Ltmp15:
0x151: {  	_ = 	snop;
	(pc) =	sbr.rel @p2 .LBB2_28-.Ltmp15, $4  }
0x152: {  	v6 =	vmov s24  }
0x153: {  	v6 =	vshll.u32 v6, $0x3  }
0x154: {  	s0 =	sadd.s32 $0x10, s0;
	v6 =	vor.u32 v1, v6;
	[tilespmem:v5+s22+$0x0] =	vst.idx.msk $0xffff, v4  }
0x155: {  	s24 =	sadd.s32 $0x10, s24;
	v5 =	vor.u32 $0x6, v6;
	v4 =	vld [tilespmem:s0+$0x0]  }
0x156: {  	_ =	sdelay $0x3  }
0x157: {  	s0 =	simm.s32 $0x17980;
	[tilespmem:v5+s22+$0x0] =	vst.idx.msk $0xffff, v4  }
0x158: {  	s24 =	simm.s32 $0x10;
	v3 =	vor.u32 $0x7, v3;
	v4 =	vld [tilespmem:s0+$0x0]  }
.LBB2_30:
0x159: {  	p2 =	sne.s32 s24, $0x270  }
.Ltmp16:
0x15a: {  	_ = 	snop;
	(pc) =	sbr.rel @p2 .LBB2_30-.Ltmp16, $4  }
0x15b: {  	v5 =	vmov s24  }
0x15c: {  	v5 =	vshll.u32 v5, $0x3  }
0x15d: {  	s0 =	sadd.s32 $0x10, s0;
	v5 =	vor.u32 v1, v5;
	[tilespmem:v3+s22+$0x0] =	vst.idx.msk $0xffff, v4  }
0x15e: {  	s24 =	sadd.s32 $0x10, s24;
	v3 =	vor.u32 $0x7, v5;
	v4 =	vld [tilespmem:s0+$0x0]  }
0x15f: {  	_ =	sdelay $0x3  }
0x160: {  	s0 =	simm.s32 @!p0 $0x0;
	s1 =	simm.s32 @!p0 $0x17C00;
	[tilespmem:v3+s22+$0x0] =	vst.idx.msk $0xffff, v4  }
0x161: {  	[hbm4b:s12+s0] =	stream.linear.scatter @!p0 [tilespmem:s1], [sflag:$0x2], $0xC80, $0x38;
	[tilespmem:$0x19810] =	vst v63  }
0x162: {  	s0 =	simm.s32 @!p0 $0x2  }
0x163: {  	s23 =	sadd.s32 $0x1, s23;
	_ =	swait.ge @!p0 [sflag:s0], $0xC80  }
0x164: {  	p2 =	sne.s32 s23, s13;
	[sflag:s0] =	ssyncset.done @!p0 $0x0  }
0x165: {  	s1 =	simm.s32 @!p1 $0x17C00;
	[sflag:s0] =	ssyncadd.s32 @!p0 $0xFFFFF380;
	s0 =	simm.s32 @!p1 $0x0  }
0x166: {  	[hbm4b:s11+s0] =	stream.linear.scatter @!p1 [tilespmem:s1], [sflag:$0x2], $0x1400, $0x38;
	[tilespmem:$0x19810] =	vst v63  }
.Ltmp17:
0x167: {  	_ = 	snop;
	(pc) =	sbr.rel @p2 .LBB2_1-.Ltmp17, $4  }
0x168: {  	s0 =	simm.s32 @!p1 $0x2  }
0x169: {  	_ =	swait.ge @!p1 [sflag:s0], $0x1400  }
0x16a: {  	[sflag:s0] =	ssyncset.done @!p1 $0x0  }
0x16b: {  	[sflag:s0] =	ssyncadd.s32 @!p1 $0xFFFFEC00  }
0x16c: {  	_ =	sfence.sel $0x180000  }
0x16d: {  	[bflag:$0x0] =	sbarrier.arrive $0xFFFF  }
0x16e: {  	_ =	strace $0x90000047  }
0x16f: {  	s0 =	stileid.u32;
	[bflag:$0x2] =	sbarrier.arrive $0xFFFF  }
0x170: {  	p0 =	sne.s32 s0, $0x0;
	s0 =	rddreg [dreg:$0x3]  }
0x171: {  	s0 =	sadd.s32 @!p0 $0x100000, s0  }
0x172: {  	[sflag:s0] =	ssyncadd.tile.s32 @!p0 $0x1;
	_ =	shalt  }
.Lfunc_end2:
_tile_overlayer_lowered:
.L_overlay_start_2:
0x173: {  	(tag) =	ssettag $0x2  }
0x174: {  	s0 =	rddreg [dreg:$0x0];
	s2 =	stileid.u32  }
0x175: {  	s1 =	rddreg [dreg:$0x1];
	p0 =	sne.s32 s2, $0x0  }
0x176: {  	s3 =	rddreg [dreg:$0x2];
	[bflag:$0x3] =	sbarrier.arrive $0xFFFF;
	s2 =	simm.s32 @!p0 $0x1C02  }
0x177: {  	[timem:s3], [sflag:s2] =	dma.local @!p0 [hbm:s0], s1  }
0x178: {  	s0 =	simm.s32 @!p0 $0x2  }
0x179: {  	_ =	swait.ge @!p0 [sflag:s0], s1  }
0x17a: {  	s1 =	ssub.s32 @!p0 $0x0, s1;
	[sflag:s0] =	ssyncset.done @!p0 $0x0  }
0x17b: {  	[sflag:s0] =	ssyncadd.s32 @!p0 s1  }
0x17c: {  	[bflag:$0x3] =	sbarrier.arrive $0xFFFF  }
0x17d: {  	_ =	shalt  }

</sc_bundles>
